<compile_context>
chip_gen: v7x
topology: tpu7x:2x2x1
jax: 0.10.2.dev20260603
libtpu: 0.0.44.dev20260713+nightly
codegen_flags: <defaults>
</compile_context>

<pallas_src>
import functools

import jax
import jax.numpy as jnp
from jax import lax
from jax.experimental import pallas as pl
from jax.experimental.pallas import tpu as pltpu
from jax.experimental.pallas import tpu_sc as plsc

NC, NS = 2, 16
NW = NC * NS
SPLITH = 2
NBUF = 10


def _emb_call(B, H, D, table, idxt):
    mesh = plsc.VectorSubcoreMesh(core_axis_name="c", subcore_axis_name="s")
    b_per_w = B // NW
    csz = b_per_w // SPLITH
    n_super = H * SPLITH // NBUF

    @functools.partial(
        pl.kernel,
        out_type=jax.ShapeDtypeStruct((H, B, D), jnp.float32),
        mesh=mesh,
        scratch_types=[
            pltpu.VMEM((H, b_per_w), jnp.int32),
            pltpu.VMEM((NBUF, csz, D), jnp.float32),
        ]
        + [pltpu.SemaphoreType.DMA] * (2 * NBUF),
    )
    def emb(table_hbm, idx_hbm, out_hbm, idx_v, rows_v, *sems):
        g_sems, w_sems = sems[:NBUF], sems[NBUF:]
        wid = lax.axis_index("s") * NC + lax.axis_index("c")
        bbase = wid * b_per_w
        pltpu.sync_copy(idx_hbm.at[wid], idx_v)

        def super_body(g, carry):
            gathers = []
            for b in range(NBUF):
                @pl.when(g > 0)
                def _():
                    pltpu.make_async_copy(
                        rows_v.at[b],
                        out_hbm.at[0, pl.ds(bbase, csz)],
                        w_sems[b],
                    ).wait()

                h = g * (NBUF // SPLITH) + b // SPLITH
                off = (b % SPLITH) * csz
                gathers.append(
                    pltpu.async_copy(
                        table_hbm.at[idx_v.at[h, pl.ds(off, csz)]],
                        rows_v.at[b],
                        g_sems[b],
                    )
                )
            for b in range(NBUF):
                h = g * (NBUF // SPLITH) + b // SPLITH
                off = (b % SPLITH) * csz
                gathers[b].wait()
                pltpu.async_copy(
                    rows_v.at[b],
                    out_hbm.at[h, pl.ds(bbase + off, csz)],
                    w_sems[b],
                )
            return carry

        lax.fori_loop(0, n_super, super_body, 0)
        for b in range(NBUF):
            pltpu.make_async_copy(
                rows_v.at[b], out_hbm.at[0, pl.ds(bbase, csz)], w_sems[b]
            ).wait()

    return emb(table, idxt)


def kernel(x, embed_weight):
    B, H = x.shape
    V, D = embed_weight.shape
    b_per_w = B // NW
    idxt = x.astype(jnp.int32).T.reshape(H, NW, b_per_w).transpose(1, 0, 2)
    y = _emb_call(B, H, D, embed_weight, idxt)
    return jnp.transpose(y, (1, 0, 2))

# --- scband reference (transcript-rebuilt; emitter-appended) ---
"""Pipeline reference for scband-embedder-33457795236657 (READ-ONLY COPY).

The authoritative reference and input builder live on the scoring server;
editing this copy changes nothing except your own understanding.
"""

import jax, jax.numpy as jnp
import numpy as np

VOCAB = 100000
EMBED_DIM = 128
BATCH = 4096
HIST = 50

def setup_inputs(seed: int = 0) -> dict:
    key = jax.random.key(seed)
    k_idx, k_tab = jax.random.split(key)
    x = jax.random.randint(k_idx, (BATCH, HIST), 0, VOCAB, dtype=jnp.int64 if jax.config.jax_enable_x64 else jnp.int32)
    # nn.Embedding default init: N(0, 1)
    embed_weight = jax.random.normal(k_tab, (VOCAB, EMBED_DIM), dtype=jnp.float32)
    return {"x": x, "embed_weight": embed_weight}

def reference(x, embed_weight):
    # Faithful translation of nn.Embedding forward: gather rows of the table
    return jnp.take(embed_weight, x, axis=0)

if __name__ == "__main__":
    import jax
    _d = setup_inputs()
    print(jax.jit(kernel)(*tuple(_d.values())))

</pallas_src>

<mosaic_0001>
#map = affine_map<(d0, d1) -> (0, 0)>
#map1 = affine_map<(d0, d1) -> (0, 0, 0)>
module attributes {stable_mosaic.version = 14 : i64} {
  func.func @emb(%arg0: i32, %arg1: i32, %arg2: memref<100000x128xf32, #tpu.memory_space<hbm>>, %arg3: memref<32x50x128xi32, #tpu.memory_space<hbm>>, %arg4: memref<50x4096x128xf32, #tpu.memory_space<hbm>>, %arg5: memref<50x128xi32, #tpu.memory_space<vmem>>, %arg6: memref<10x64x128xf32, #tpu.memory_space<vmem>>, %arg7: memref<!tpu.dma_semaphore, #tpu.memory_space<semaphore_mem>>, %arg8: memref<!tpu.dma_semaphore, #tpu.memory_space<semaphore_mem>>, %arg9: memref<!tpu.dma_semaphore, #tpu.memory_space<semaphore_mem>>, %arg10: memref<!tpu.dma_semaphore, #tpu.memory_space<semaphore_mem>>, %arg11: memref<!tpu.dma_semaphore, #tpu.memory_space<semaphore_mem>>, %arg12: memref<!tpu.dma_semaphore, #tpu.memory_space<semaphore_mem>>, %arg13: memref<!tpu.dma_semaphore, #tpu.memory_space<semaphore_mem>>, %arg14: memref<!tpu.dma_semaphore, #tpu.memory_space<semaphore_mem>>, %arg15: memref<!tpu.dma_semaphore, #tpu.memory_space<semaphore_mem>>, %arg16: memref<!tpu.dma_semaphore, #tpu.memory_space<semaphore_mem>>, %arg17: memref<!tpu.dma_semaphore, #tpu.memory_space<semaphore_mem>>, %arg18: memref<!tpu.dma_semaphore, #tpu.memory_space<semaphore_mem>>, %arg19: memref<!tpu.dma_semaphore, #tpu.memory_space<semaphore_mem>>, %arg20: memref<!tpu.dma_semaphore, #tpu.memory_space<semaphore_mem>>, %arg21: memref<!tpu.dma_semaphore, #tpu.memory_space<semaphore_mem>>, %arg22: memref<!tpu.dma_semaphore, #tpu.memory_space<semaphore_mem>>, %arg23: memref<!tpu.dma_semaphore, #tpu.memory_space<semaphore_mem>>, %arg24: memref<!tpu.dma_semaphore, #tpu.memory_space<semaphore_mem>>, %arg25: memref<!tpu.dma_semaphore, #tpu.memory_space<semaphore_mem>>, %arg26: memref<!tpu.dma_semaphore, #tpu.memory_space<semaphore_mem>>) attributes {dimension_semantics = [#tpu.dimension_semantics<core_parallel>, #tpu.dimension_semantics<subcore_parallel>], iteration_bounds = array<i64: 2, 16>, scalar_prefetch = 0 : i64, scratch_operands = 22 : i64, tpu.core_type = #tpu.core_type<sc_vector_subcore>, window_params = [{transform_indices = #map}, {transform_indices = #map1}, {transform_indices = #map1}]} {
    %mul3A = arith.constant 2 : i32
    %mul3A_0 = arith.muli %arg1, %mul3A : i32
    %add3A = arith.addi %mul3A_0, %arg0 : i32
    %mul3A_1 = arith.constant 128 : i32
    %mul3A_2 = arith.muli %add3A, %mul3A_1 : i32
    "tpu.region"() ({
      %run_scoped3A = tpu.sem_alloc : memref<!tpu.dma_semaphore, #tpu.memory_space<semaphore_mem>>
      %dma_start3A = arith.constant 0 : i32
      %dma_start3A_167 = arith.constant 0 : i32
      %dma_start3A_168 = tpu.memref_slice %arg3[%add3A, %dma_start3A, %dma_start3A_167] : memref<32x50x128xi32, #tpu.memory_space<hbm>> -> memref<1x50x128xi32, #tpu.memory_space<hbm>>
      %dma_start3A_169 = tpu.memref_squeeze %dma_start3A_168 : memref<1x50x128xi32, #tpu.memory_space<hbm>> -> memref<50x128xi32, #tpu.memory_space<hbm>>
      %dma_start3A_170 = arith.constant 0 : i32
      %dma_start3A_171 = arith.constant 0 : i32
      %dma_start3A_172 = tpu.memref_slice %arg3[%add3A, %dma_start3A_170, %dma_start3A_171] : memref<32x50x128xi32, #tpu.memory_space<hbm>> -> memref<1x50x128xi32, #tpu.memory_space<hbm>>
      %dma_start3A_173 = tpu.memref_squeeze %dma_start3A_172 : memref<1x50x128xi32, #tpu.memory_space<hbm>> -> memref<50x128xi32, #tpu.memory_space<hbm>>
      tpu.enqueue_dma source(%dma_start3A_173 : memref<50x128xi32, #tpu.memory_space<hbm>>) target(%arg5 : memref<50x128xi32, #tpu.memory_space<vmem>>) target_semaphore(%run_scoped3A : memref<!tpu.dma_semaphore, #tpu.memory_space<semaphore_mem>>)
      %dma_wait3A_174 = arith.constant 0 : i32
      %dma_wait3A_175 = arith.constant 0 : i32
      %dma_wait3A_176 = tpu.memref_slice %arg3[%add3A, %dma_wait3A_174, %dma_wait3A_175] : memref<32x50x128xi32, #tpu.memory_space<hbm>> -> memref<1x50x128xi32, #tpu.memory_space<hbm>>
      %dma_wait3A_177 = tpu.memref_squeeze %dma_wait3A_176 : memref<1x50x128xi32, #tpu.memory_space<hbm>> -> memref<50x128xi32, #tpu.memory_space<hbm>>
      %dma_wait3A_178 = arith.constant 0 : i32
      %dma_wait3A_179 = arith.constant 0 : i32
      %dma_wait3A_180 = tpu.memref_slice %arg3[%add3A, %dma_wait3A_178, %dma_wait3A_179] : memref<32x50x128xi32, #tpu.memory_space<hbm>> -> memref<1x50x128xi32, #tpu.memory_space<hbm>>
      %dma_wait3A_181 = tpu.memref_squeeze %dma_wait3A_180 : memref<1x50x128xi32, #tpu.memory_space<hbm>> -> memref<50x128xi32, #tpu.memory_space<hbm>>
      tpu.wait_dma2 semaphore(%run_scoped3A : memref<!tpu.dma_semaphore, #tpu.memory_space<semaphore_mem>>) src(%dma_wait3A_181 : memref<50x128xi32, #tpu.memory_space<hbm>>) dst(%arg5 : memref<50x128xi32, #tpu.memory_space<vmem>>)
      tpu.yield
    }) : () -> ()
    %scan3A = arith.constant 0 : i32
    %scan3A_3 = arith.constant 0 : i32
    %scan3A_4 = arith.constant 10 : i32
    %scan3A_5 = arith.addi %scan3A_3, %scan3A_4 : i32
    %scan3A_6 = arith.constant 1 : i32
    scf.for %scan3A_167 = %scan3A_3 to %scan3A_5 step %scan3A_6  : i32 {
      %gt3A = arith.constant 0 : i32
      %gt3A_168 = arith.cmpi sgt, %scan3A_167, %gt3A : i32
      %convert_element_type3A = arith.extui %gt3A_168 : i1 to i32
      %cond3A = arith.constant 0 : i32
      %cond3A_169 = arith.cmpi ne, %convert_element_type3A, %cond3A : i32
      scf.if %cond3A_169 {
        %dma_wait3A_684 = arith.constant 0 : i32
        %dma_wait3A_685 = arith.constant 0 : i32
        %dma_wait3A_686 = arith.constant 0 : i32
        %dma_wait3A_687 = arith.constant 0 : i32
        %dma_wait3A_688 = tpu.memref_slice %arg6[%dma_wait3A_684, %dma_wait3A_686, %dma_wait3A_687] : memref<10x64x128xf32, #tpu.memory_space<vmem>> -> memref<1x64x128xf32, #tpu.memory_space<vmem>>
        %dma_wait3A_689 = tpu.memref_squeeze %dma_wait3A_688 : memref<1x64x128xf32, #tpu.memory_space<vmem>> -> memref<64x128xf32, #tpu.memory_space<vmem>>
        %dma_wait3A_690 = arith.constant 0 : i32
        %dma_wait3A_691 = tpu.memref_slice %arg4[%dma_wait3A_685, %mul3A_2, %dma_wait3A_690] : memref<50x4096x128xf32, #tpu.memory_space<hbm>> -> memref<1x64x128xf32, #tpu.memory_space<hbm>>
        %dma_wait3A_692 = tpu.memref_squeeze %dma_wait3A_691 : memref<1x64x128xf32, #tpu.memory_space<hbm>> -> memref<64x128xf32, #tpu.memory_space<hbm>>
        %dma_wait3A_693 = arith.constant 0 : i32
        %dma_wait3A_694 = tpu.memref_slice %arg4[%dma_wait3A_685, %mul3A_2, %dma_wait3A_693] : memref<50x4096x128xf32, #tpu.memory_space<hbm>> -> memref<1x64x128xf32, #tpu.memory_space<hbm>>
        %dma_wait3A_695 = tpu.memref_squeeze %dma_wait3A_694 : memref<1x64x128xf32, #tpu.memory_space<hbm>> -> memref<64x128xf32, #tpu.memory_space<hbm>>
        %dma_wait3A_696 = arith.constant 0 : i32
        %dma_wait3A_697 = arith.constant 0 : i32
        %dma_wait3A_698 = tpu.memref_slice %arg6[%dma_wait3A_684, %dma_wait3A_696, %dma_wait3A_697] : memref<10x64x128xf32, #tpu.memory_space<vmem>> -> memref<1x64x128xf32, #tpu.memory_space<vmem>>
        %dma_wait3A_699 = tpu.memref_squeeze %dma_wait3A_698 : memref<1x64x128xf32, #tpu.memory_space<vmem>> -> memref<64x128xf32, #tpu.memory_space<vmem>>
        tpu.wait_dma2 semaphore(%arg17 : memref<!tpu.dma_semaphore, #tpu.memory_space<semaphore_mem>>) src(%dma_wait3A_699 : memref<64x128xf32, #tpu.memory_space<vmem>>) dst(%dma_wait3A_695 : memref<64x128xf32, #tpu.memory_space<hbm>>)
      } else {
      }
      %mul3A_170 = arith.constant 5 : i32
      %mul3A_171 = arith.muli %scan3A_167, %mul3A_170 : i32
      %add3A_172 = arith.constant 0 : i32
      %add3A_173 = arith.addi %mul3A_171, %add3A_172 : i32
      %dma_start3A = arith.constant 0 : i32
      %dma_start3A_174 = arith.constant 0 : i32
      %dma_start3A_175 = arith.constant 0 : i32
      %dma_start3A_176 = tpu.memref_slice %arg6[%dma_start3A, %dma_start3A_174, %dma_start3A_175] : memref<10x64x128xf32, #tpu.memory_space<vmem>> -> memref<1x64x128xf32, #tpu.memory_space<vmem>>
      %dma_start3A_177 = tpu.memref_squeeze %dma_start3A_176 : memref<1x64x128xf32, #tpu.memory_space<vmem>> -> memref<64x128xf32, #tpu.memory_space<vmem>>
      %dma_start3A_178 = arith.constant 0 : i32
      %dma_start3A_179 = tpu.memref_slice %arg5[%add3A_173, %dma_start3A_178] : memref<50x128xi32, #tpu.memory_space<vmem>> -> memref<1x64xi32, #tpu.memory_space<vmem>>
      %dma_start3A_180 = tpu.memref_squeeze %dma_start3A_179 : memref<1x64xi32, #tpu.memory_space<vmem>> -> memref<64xi32, #tpu.memory_space<vmem>>
      %dma_start3A_181 = arith.constant 0 : i32
      %dma_start3A_182 = arith.constant 0 : i32
      %dma_start3A_183 = tpu.memref_slice %arg2[%dma_start3A_181, %dma_start3A_182] : memref<100000x128xf32, #tpu.memory_space<hbm>> -> memref<100000x128xf32, #tpu.memory_space<hbm>>
      tpu.enqueue_indirect_dma source(%dma_start3A_183 : memref<100000x128xf32, #tpu.memory_space<hbm>>) target(%dma_start3A_177 : memref<64x128xf32, #tpu.memory_space<vmem>>) offsets(%dma_start3A_180 : memref<64xi32, #tpu.memory_space<vmem>>) semaphore(%arg7 : memref<!tpu.dma_semaphore, #tpu.memory_space<semaphore_mem>>)
      %gt3A_184 = arith.constant 0 : i32
      %gt3A_185 = arith.cmpi sgt, %scan3A_167, %gt3A_184 : i32
      %convert_element_type3A_186 = arith.extui %gt3A_185 : i1 to i32
      %cond3A_187 = arith.constant 0 : i32
      %cond3A_188 = arith.cmpi ne, %convert_element_type3A_186, %cond3A_187 : i32
      scf.if %cond3A_188 {
        %dma_wait3A_684 = arith.constant 1 : i32
        %dma_wait3A_685 = arith.constant 0 : i32
        %dma_wait3A_686 = arith.constant 0 : i32
        %dma_wait3A_687 = arith.constant 0 : i32
        %dma_wait3A_688 = tpu.memref_slice %arg6[%dma_wait3A_684, %dma_wait3A_686, %dma_wait3A_687] : memref<10x64x128xf32, #tpu.memory_space<vmem>> -> memref<1x64x128xf32, #tpu.memory_space<vmem>>
        %dma_wait3A_689 = tpu.memref_squeeze %dma_wait3A_688 : memref<1x64x128xf32, #tpu.memory_space<vmem>> -> memref<64x128xf32, #tpu.memory_space<vmem>>
        %dma_wait3A_690 = arith.constant 0 : i32
        %dma_wait3A_691 = tpu.memref_slice %arg4[%dma_wait3A_685, %mul3A_2, %dma_wait3A_690] : memref<50x4096x128xf32, #tpu.memory_space<hbm>> -> memref<1x64x128xf32, #tpu.memory_space<hbm>>
        %dma_wait3A_692 = tpu.memref_squeeze %dma_wait3A_691 : memref<1x64x128xf32, #tpu.memory_space<hbm>> -> memref<64x128xf32, #tpu.memory_space<hbm>>
        %dma_wait3A_693 = arith.constant 0 : i32
        %dma_wait3A_694 = tpu.memref_slice %arg4[%dma_wait3A_685, %mul3A_2, %dma_wait3A_693] : memref<50x4096x128xf32, #tpu.memory_space<hbm>> -> memref<1x64x128xf32, #tpu.memory_space<hbm>>
        %dma_wait3A_695 = tpu.memref_squeeze %dma_wait3A_694 : memref<1x64x128xf32, #tpu.memory_space<hbm>> -> memref<64x128xf32, #tpu.memory_space<hbm>>
        %dma_wait3A_696 = arith.constant 0 : i32
        %dma_wait3A_697 = arith.constant 0 : i32
        %dma_wait3A_698 = tpu.memref_slice %arg6[%dma_wait3A_684, %dma_wait3A_696, %dma_wait3A_697] : memref<10x64x128xf32, #tpu.memory_space<vmem>> -> memref<1x64x128xf32, #tpu.memory_space<vmem>>
        %dma_wait3A_699 = tpu.memref_squeeze %dma_wait3A_698 : memref<1x64x128xf32, #tpu.memory_space<vmem>> -> memref<64x128xf32, #tpu.memory_space<vmem>>
        tpu.wait_dma2 semaphore(%arg18 : memref<!tpu.dma_semaphore, #tpu.memory_space<semaphore_mem>>) src(%dma_wait3A_699 : memref<64x128xf32, #tpu.memory_space<vmem>>) dst(%dma_wait3A_695 : memref<64x128xf32, #tpu.memory_space<hbm>>)
      } else {
      }
      %mul3A_189 = arith.constant 5 : i32
      %mul3A_190 = arith.muli %scan3A_167, %mul3A_189 : i32
      %add3A_191 = arith.constant 0 : i32
      %add3A_192 = arith.addi %mul3A_190, %add3A_191 : i32
      %dma_start3A_193 = arith.constant 1 : i32
      %dma_start3A_194 = arith.constant 0 : i32
      %dma_start3A_195 = arith.constant 0 : i32
      %dma_start3A_196 = tpu.memref_slice %arg6[%dma_start3A_193, %dma_start3A_194, %dma_start3A_195] : memref<10x64x128xf32, #tpu.memory_space<vmem>> -> memref<1x64x128xf32, #tpu.memory_space<vmem>>
      %dma_start3A_197 = tpu.memref_squeeze %dma_start3A_196 : memref<1x64x128xf32, #tpu.memory_space<vmem>> -> memref<64x128xf32, #tpu.memory_space<vmem>>
      %dma_start3A_198 = arith.constant 64 : i32
      %dma_start3A_199 = tpu.memref_slice %arg5[%add3A_192, %dma_start3A_198] : memref<50x128xi32, #tpu.memory_space<vmem>> -> memref<1x64xi32, #tpu.memory_space<vmem>>
      %dma_start3A_200 = tpu.memref_squeeze %dma_start3A_199 : memref<1x64xi32, #tpu.memory_space<vmem>> -> memref<64xi32, #tpu.memory_space<vmem>>
      %dma_start3A_201 = arith.constant 0 : i32
      %dma_start3A_202 = arith.constant 0 : i32
      %dma_start3A_203 = tpu.memref_slice %arg2[%dma_start3A_201, %dma_start3A_202] : memref<100000x128xf32, #tpu.memory_space<hbm>> -> memref<100000x128xf32, #tpu.memory_space<hbm>>
      tpu.enqueue_indirect_dma source(%dma_start3A_203 : memref<100000x128xf32, #tpu.memory_space<hbm>>) target(%dma_start3A_197 : memref<64x128xf32, #tpu.memory_space<vmem>>) offsets(%dma_start3A_200 : memref<64xi32, #tpu.memory_space<vmem>>) semaphore(%arg8 : memref<!tpu.dma_semaphore, #tpu.memory_space<semaphore_mem>>)
      %gt3A_204 = arith.constant 0 : i32
      %gt3A_205 = arith.cmpi sgt, %scan3A_167, %gt3A_204 : i32
      %convert_element_type3A_206 = arith.extui %gt3A_205 : i1 to i32
      %cond3A_207 = arith.constant 0 : i32
      %cond3A_208 = arith.cmpi ne, %convert_element_type3A_206, %cond3A_207 : i32
      scf.if %cond3A_208 {
        %dma_wait3A_684 = arith.constant 2 : i32
        %dma_wait3A_685 = arith.constant 0 : i32
        %dma_wait3A_686 = arith.constant 0 : i32
        %dma_wait3A_687 = arith.constant 0 : i32
        %dma_wait3A_688 = tpu.memref_slice %arg6[%dma_wait3A_684, %dma_wait3A_686, %dma_wait3A_687] : memref<10x64x128xf32, #tpu.memory_space<vmem>> -> memref<1x64x128xf32, #tpu.memory_space<vmem>>
        %dma_wait3A_689 = tpu.memref_squeeze %dma_wait3A_688 : memref<1x64x128xf32, #tpu.memory_space<vmem>> -> memref<64x128xf32, #tpu.memory_space<vmem>>
        %dma_wait3A_690 = arith.constant 0 : i32
        %dma_wait3A_691 = tpu.memref_slice %arg4[%dma_wait3A_685, %mul3A_2, %dma_wait3A_690] : memref<50x4096x128xf32, #tpu.memory_space<hbm>> -> memref<1x64x128xf32, #tpu.memory_space<hbm>>
        %dma_wait3A_692 = tpu.memref_squeeze %dma_wait3A_691 : memref<1x64x128xf32, #tpu.memory_space<hbm>> -> memref<64x128xf32, #tpu.memory_space<hbm>>
        %dma_wait3A_693 = arith.constant 0 : i32
        %dma_wait3A_694 = tpu.memref_slice %arg4[%dma_wait3A_685, %mul3A_2, %dma_wait3A_693] : memref<50x4096x128xf32, #tpu.memory_space<hbm>> -> memref<1x64x128xf32, #tpu.memory_space<hbm>>
        %dma_wait3A_695 = tpu.memref_squeeze %dma_wait3A_694 : memref<1x64x128xf32, #tpu.memory_space<hbm>> -> memref<64x128xf32, #tpu.memory_space<hbm>>
        %dma_wait3A_696 = arith.constant 0 : i32
        %dma_wait3A_697 = arith.constant 0 : i32
        %dma_wait3A_698 = tpu.memref_slice %arg6[%dma_wait3A_684, %dma_wait3A_696, %dma_wait3A_697] : memref<10x64x128xf32, #tpu.memory_space<vmem>> -> memref<1x64x128xf32, #tpu.memory_space<vmem>>
        %dma_wait3A_699 = tpu.memref_squeeze %dma_wait3A_698 : memref<1x64x128xf32, #tpu.memory_space<vmem>> -> memref<64x128xf32, #tpu.memory_space<vmem>>
        tpu.wait_dma2 semaphore(%arg19 : memref<!tpu.dma_semaphore, #tpu.memory_space<semaphore_mem>>) src(%dma_wait3A_699 : memref<64x128xf32, #tpu.memory_space<vmem>>) dst(%dma_wait3A_695 : memref<64x128xf32, #tpu.memory_space<hbm>>)
      } else {
      }
      %mul3A_209 = arith.constant 5 : i32
      %mul3A_210 = arith.muli %scan3A_167, %mul3A_209 : i32
      %add3A_211 = arith.constant 1 : i32
      %add3A_212 = arith.addi %mul3A_210, %add3A_211 : i32
      %dma_start3A_213 = arith.constant 2 : i32
      %dma_start3A_214 = arith.constant 0 : i32
      %dma_start3A_215 = arith.constant 0 : i32
      %dma_start3A_216 = tpu.memref_slice %arg6[%dma_start3A_213, %dma_start3A_214, %dma_start3A_215] : memref<10x64x128xf32, #tpu.memory_space<vmem>> -> memref<1x64x128xf32, #tpu.memory_space<vmem>>
      %dma_start3A_217 = tpu.memref_squeeze %dma_start3A_216 : memref<1x64x128xf32, #tpu.memory_space<vmem>> -> memref<64x128xf32, #tpu.memory_space<vmem>>
      %dma_start3A_218 = arith.constant 0 : i32
      %dma_start3A_219 = tpu.memref_slice %arg5[%add3A_212, %dma_start3A_218] : memref<50x128xi32, #tpu.memory_space<vmem>> -> memref<1x64xi32, #tpu.memory_space<vmem>>
      %dma_start3A_220 = tpu.memref_squeeze %dma_start3A_219 : memref<1x64xi32, #tpu.memory_space<vmem>> -> memref<64xi32, #tpu.memory_space<vmem>>
      %dma_start3A_221 = arith.constant 0 : i32
      %dma_start3A_222 = arith.constant 0 : i32
      %dma_start3A_223 = tpu.memref_slice %arg2[%dma_start3A_221, %dma_start3A_222] : memref<100000x128xf32, #tpu.memory_space<hbm>> -> memref<100000x128xf32, #tpu.memory_space<hbm>>
      tpu.enqueue_indirect_dma source(%dma_start3A_223 : memref<100000x128xf32, #tpu.memory_space<hbm>>) target(%dma_start3A_217 : memref<64x128xf32, #tpu.memory_space<vmem>>) offsets(%dma_start3A_220 : memref<64xi32, #tpu.memory_space<vmem>>) semaphore(%arg9 : memref<!tpu.dma_semaphore, #tpu.memory_space<semaphore_mem>>)
      %gt3A_224 = arith.constant 0 : i32
      %gt3A_225 = arith.cmpi sgt, %scan3A_167, %gt3A_224 : i32
      %convert_element_type3A_226 = arith.extui %gt3A_225 : i1 to i32
      %cond3A_227 = arith.constant 0 : i32
      %cond3A_228 = arith.cmpi ne, %convert_element_type3A_226, %cond3A_227 : i32
      scf.if %cond3A_228 {
        %dma_wait3A_684 = arith.constant 3 : i32
        %dma_wait3A_685 = arith.constant 0 : i32
        %dma_wait3A_686 = arith.constant 0 : i32
        %dma_wait3A_687 = arith.constant 0 : i32
        %dma_wait3A_688 = tpu.memref_slice %arg6[%dma_wait3A_684, %dma_wait3A_686, %dma_wait3A_687] : memref<10x64x128xf32, #tpu.memory_space<vmem>> -> memref<1x64x128xf32, #tpu.memory_space<vmem>>
        %dma_wait3A_689 = tpu.memref_squeeze %dma_wait3A_688 : memref<1x64x128xf32, #tpu.memory_space<vmem>> -> memref<64x128xf32, #tpu.memory_space<vmem>>
        %dma_wait3A_690 = arith.constant 0 : i32
        %dma_wait3A_691 = tpu.memref_slice %arg4[%dma_wait3A_685, %mul3A_2, %dma_wait3A_690] : memref<50x4096x128xf32, #tpu.memory_space<hbm>> -> memref<1x64x128xf32, #tpu.memory_space<hbm>>
        %dma_wait3A_692 = tpu.memref_squeeze %dma_wait3A_691 : memref<1x64x128xf32, #tpu.memory_space<hbm>> -> memref<64x128xf32, #tpu.memory_space<hbm>>
        %dma_wait3A_693 = arith.constant 0 : i32
        %dma_wait3A_694 = tpu.memref_slice %arg4[%dma_wait3A_685, %mul3A_2, %dma_wait3A_693] : memref<50x4096x128xf32, #tpu.memory_space<hbm>> -> memref<1x64x128xf32, #tpu.memory_space<hbm>>
        %dma_wait3A_695 = tpu.memref_squeeze %dma_wait3A_694 : memref<1x64x128xf32, #tpu.memory_space<hbm>> -> memref<64x128xf32, #tpu.memory_space<hbm>>
        %dma_wait3A_696 = arith.constant 0 : i32
        %dma_wait3A_697 = arith.constant 0 : i32
        %dma_wait3A_698 = tpu.memref_slice %arg6[%dma_wait3A_684, %dma_wait3A_696, %dma_wait3A_697] : memref<10x64x128xf32, #tpu.memory_space<vmem>> -> memref<1x64x128xf32, #tpu.memory_space<vmem>>
        %dma_wait3A_699 = tpu.memref_squeeze %dma_wait3A_698 : memref<1x64x128xf32, #tpu.memory_space<vmem>> -> memref<64x128xf32, #tpu.memory_space<vmem>>
        tpu.wait_dma2 semaphore(%arg20 : memref<!tpu.dma_semaphore, #tpu.memory_space<semaphore_mem>>) src(%dma_wait3A_699 : memref<64x128xf32, #tpu.memory_space<vmem>>) dst(%dma_wait3A_695 : memref<64x128xf32, #tpu.memory_space<hbm>>)
      } else {
      }
      %mul3A_229 = arith.constant 5 : i32
      %mul3A_230 = arith.muli %scan3A_167, %mul3A_229 : i32
      %add3A_231 = arith.constant 1 : i32
      %add3A_232 = arith.addi %mul3A_230, %add3A_231 : i32
      %dma_start3A_233 = arith.constant 3 : i32
      %dma_start3A_234 = arith.constant 0 : i32
      %dma_start3A_235 = arith.constant 0 : i32
      %dma_start3A_236 = tpu.memref_slice %arg6[%dma_start3A_233, %dma_start3A_234, %dma_start3A_235] : memref<10x64x128xf32, #tpu.memory_space<vmem>> -> memref<1x64x128xf32, #tpu.memory_space<vmem>>
      %dma_start3A_237 = tpu.memref_squeeze %dma_start3A_236 : memref<1x64x128xf32, #tpu.memory_space<vmem>> -> memref<64x128xf32, #tpu.memory_space<vmem>>
      %dma_start3A_238 = arith.constant 64 : i32
      %dma_start3A_239 = tpu.memref_slice %arg5[%add3A_232, %dma_start3A_238] : memref<50x128xi32, #tpu.memory_space<vmem>> -> memref<1x64xi32, #tpu.memory_space<vmem>>
      %dma_start3A_240 = tpu.memref_squeeze %dma_start3A_239 : memref<1x64xi32, #tpu.memory_space<vmem>> -> memref<64xi32, #tpu.memory_space<vmem>>
      %dma_start3A_241 = arith.constant 0 : i32
      %dma_start3A_242 = arith.constant 0 : i32
      %dma_start3A_243 = tpu.memref_slice %arg2[%dma_start3A_241, %dma_start3A_242] : memref<100000x128xf32, #tpu.memory_space<hbm>> -> memref<100000x128xf32, #tpu.memory_space<hbm>>
      tpu.enqueue_indirect_dma source(%dma_start3A_243 : memref<100000x128xf32, #tpu.memory_space<hbm>>) target(%dma_start3A_237 : memref<64x128xf32, #tpu.memory_space<vmem>>) offsets(%dma_start3A_240 : memref<64xi32, #tpu.memory_space<vmem>>) semaphore(%arg10 : memref<!tpu.dma_semaphore, #tpu.memory_space<semaphore_mem>>)
      %gt3A_244 = arith.constant 0 : i32
      %gt3A_245 = arith.cmpi sgt, %scan3A_167, %gt3A_244 : i32
      %convert_element_type3A_246 = arith.extui %gt3A_245 : i1 to i32
      %cond3A_247 = arith.constant 0 : i32
      %cond3A_248 = arith.cmpi ne, %convert_element_type3A_246, %cond3A_247 : i32
      scf.if %cond3A_248 {
        %dma_wait3A_684 = arith.constant 4 : i32
        %dma_wait3A_685 = arith.constant 0 : i32
        %dma_wait3A_686 = arith.constant 0 : i32
        %dma_wait3A_687 = arith.constant 0 : i32
        %dma_wait3A_688 = tpu.memref_slice %arg6[%dma_wait3A_684, %dma_wait3A_686, %dma_wait3A_687] : memref<10x64x128xf32, #tpu.memory_space<vmem>> -> memref<1x64x128xf32, #tpu.memory_space<vmem>>
        %dma_wait3A_689 = tpu.memref_squeeze %dma_wait3A_688 : memref<1x64x128xf32, #tpu.memory_space<vmem>> -> memref<64x128xf32, #tpu.memory_space<vmem>>
        %dma_wait3A_690 = arith.constant 0 : i32
        %dma_wait3A_691 = tpu.memref_slice %arg4[%dma_wait3A_685, %mul3A_2, %dma_wait3A_690] : memref<50x4096x128xf32, #tpu.memory_space<hbm>> -> memref<1x64x128xf32, #tpu.memory_space<hbm>>
        %dma_wait3A_692 = tpu.memref_squeeze %dma_wait3A_691 : memref<1x64x128xf32, #tpu.memory_space<hbm>> -> memref<64x128xf32, #tpu.memory_space<hbm>>
        %dma_wait3A_693 = arith.constant 0 : i32
        %dma_wait3A_694 = tpu.memref_slice %arg4[%dma_wait3A_685, %mul3A_2, %dma_wait3A_693] : memref<50x4096x128xf32, #tpu.memory_space<hbm>> -> memref<1x64x128xf32, #tpu.memory_space<hbm>>
        %dma_wait3A_695 = tpu.memref_squeeze %dma_wait3A_694 : memref<1x64x128xf32, #tpu.memory_space<hbm>> -> memref<64x128xf32, #tpu.memory_space<hbm>>
        %dma_wait3A_696 = arith.constant 0 : i32
        %dma_wait3A_697 = arith.constant 0 : i32
        %dma_wait3A_698 = tpu.memref_slice %arg6[%dma_wait3A_684, %dma_wait3A_696, %dma_wait3A_697] : memref<10x64x128xf32, #tpu.memory_space<vmem>> -> memref<1x64x128xf32, #tpu.memory_space<vmem>>
        %dma_wait3A_699 = tpu.memref_squeeze %dma_wait3A_698 : memref<1x64x128xf32, #tpu.memory_space<vmem>> -> memref<64x128xf32, #tpu.memory_space<vmem>>
        tpu.wait_dma2 semaphore(%arg21 : memref<!tpu.dma_semaphore, #tpu.memory_space<semaphore_mem>>) src(%dma_wait3A_699 : memref<64x128xf32, #tpu.memory_space<vmem>>) dst(%dma_wait3A_695 : memref<64x128xf32, #tpu.memory_space<hbm>>)
      } else {
      }
      %mul3A_249 = arith.constant 5 : i32
      %mul3A_250 = arith.muli %scan3A_167, %mul3A_249 : i32
      %add3A_251 = arith.constant 2 : i32
      %add3A_252 = arith.addi %mul3A_250, %add3A_251 : i32
      %dma_start3A_253 = arith.constant 4 : i32
      %dma_start3A_254 = arith.constant 0 : i32
      %dma_start3A_255 = arith.constant 0 : i32
      %dma_start3A_256 = tpu.memref_slice %arg6[%dma_start3A_253, %dma_start3A_254, %dma_start3A_255] : memref<10x64x128xf32, #tpu.memory_space<vmem>> -> memref<1x64x128xf32, #tpu.memory_space<vmem>>
      %dma_start3A_257 = tpu.memref_squeeze %dma_start3A_256 : memref<1x64x128xf32, #tpu.memory_space<vmem>> -> memref<64x128xf32, #tpu.memory_space<vmem>>
      %dma_start3A_258 = arith.constant 0 : i32
      %dma_start3A_259 = tpu.memref_slice %arg5[%add3A_252, %dma_start3A_258] : memref<50x128xi32, #tpu.memory_space<vmem>> -> memref<1x64xi32, #tpu.memory_space<vmem>>
      %dma_start3A_260 = tpu.memref_squeeze %dma_start3A_259 : memref<1x64xi32, #tpu.memory_space<vmem>> -> memref<64xi32, #tpu.memory_space<vmem>>
      %dma_start3A_261 = arith.constant 0 : i32
      %dma_start3A_262 = arith.constant 0 : i32
      %dma_start3A_263 = tpu.memref_slice %arg2[%dma_start3A_261, %dma_start3A_262] : memref<100000x128xf32, #tpu.memory_space<hbm>> -> memref<100000x128xf32, #tpu.memory_space<hbm>>
      tpu.enqueue_indirect_dma source(%dma_start3A_263 : memref<100000x128xf32, #tpu.memory_space<hbm>>) target(%dma_start3A_257 : memref<64x128xf32, #tpu.memory_space<vmem>>) offsets(%dma_start3A_260 : memref<64xi32, #tpu.memory_space<vmem>>) semaphore(%arg11 : memref<!tpu.dma_semaphore, #tpu.memory_space<semaphore_mem>>)
      %gt3A_264 = arith.constant 0 : i32
      %gt3A_265 = arith.cmpi sgt, %scan3A_167, %gt3A_264 : i32
      %convert_element_type3A_266 = arith.extui %gt3A_265 : i1 to i32
      %cond3A_267 = arith.constant 0 : i32
      %cond3A_268 = arith.cmpi ne, %convert_element_type3A_266, %cond3A_267 : i32
      scf.if %cond3A_268 {
        %dma_wait3A_684 = arith.constant 5 : i32
        %dma_wait3A_685 = arith.constant 0 : i32
        %dma_wait3A_686 = arith.constant 0 : i32
        %dma_wait3A_687 = arith.constant 0 : i32
        %dma_wait3A_688 = tpu.memref_slice %arg6[%dma_wait3A_684, %dma_wait3A_686, %dma_wait3A_687] : memref<10x64x128xf32, #tpu.memory_space<vmem>> -> memref<1x64x128xf32, #tpu.memory_space<vmem>>
        %dma_wait3A_689 = tpu.memref_squeeze %dma_wait3A_688 : memref<1x64x128xf32, #tpu.memory_space<vmem>> -> memref<64x128xf32, #tpu.memory_space<vmem>>
        %dma_wait3A_690 = arith.constant 0 : i32
        %dma_wait3A_691 = tpu.memref_slice %arg4[%dma_wait3A_685, %mul3A_2, %dma_wait3A_690] : memref<50x4096x128xf32, #tpu.memory_space<hbm>> -> memref<1x64x128xf32, #tpu.memory_space<hbm>>
        %dma_wait3A_692 = tpu.memref_squeeze %dma_wait3A_691 : memref<1x64x128xf32, #tpu.memory_space<hbm>> -> memref<64x128xf32, #tpu.memory_space<hbm>>
        %dma_wait3A_693 = arith.constant 0 : i32
        %dma_wait3A_694 = tpu.memref_slice %arg4[%dma_wait3A_685, %mul3A_2, %dma_wait3A_693] : memref<50x4096x128xf32, #tpu.memory_space<hbm>> -> memref<1x64x128xf32, #tpu.memory_space<hbm>>
        %dma_wait3A_695 = tpu.memref_squeeze %dma_wait3A_694 : memref<1x64x128xf32, #tpu.memory_space<hbm>> -> memref<64x128xf32, #tpu.memory_space<hbm>>
        %dma_wait3A_696 = arith.constant 0 : i32
        %dma_wait3A_697 = arith.constant 0 : i32
        %dma_wait3A_698 = tpu.memref_slice %arg6[%dma_wait3A_684, %dma_wait3A_696, %dma_wait3A_697] : memref<10x64x128xf32, #tpu.memory_space<vmem>> -> memref<1x64x128xf32, #tpu.memory_space<vmem>>
        %dma_wait3A_699 = tpu.memref_squeeze %dma_wait3A_698 : memref<1x64x128xf32, #tpu.memory_space<vmem>> -> memref<64x128xf32, #tpu.memory_space<vmem>>
        tpu.wait_dma2 semaphore(%arg22 : memref<!tpu.dma_semaphore, #tpu.memory_space<semaphore_mem>>) src(%dma_wait3A_699 : memref<64x128xf32, #tpu.memory_space<vmem>>) dst(%dma_wait3A_695 : memref<64x128xf32, #tpu.memory_space<hbm>>)
      } else {
      }
      %mul3A_269 = arith.constant 5 : i32
      %mul3A_270 = arith.muli %scan3A_167, %mul3A_269 : i32
      %add3A_271 = arith.constant 2 : i32
      %add3A_272 = arith.addi %mul3A_270, %add3A_271 : i32
      %dma_start3A_273 = arith.constant 5 : i32
      %dma_start3A_274 = arith.constant 0 : i32
      %dma_start3A_275 = arith.constant 0 : i32
      %dma_start3A_276 = tpu.memref_slice %arg6[%dma_start3A_273, %dma_start3A_274, %dma_start3A_275] : memref<10x64x128xf32, #tpu.memory_space<vmem>> -> memref<1x64x128xf32, #tpu.memory_space<vmem>>
      %dma_start3A_277 = tpu.memref_squeeze %dma_start3A_276 : memref<1x64x128xf32, #tpu.memory_space<vmem>> -> memref<64x128xf32, #tpu.memory_space<vmem>>
      %dma_start3A_278 = arith.constant 64 : i32
      %dma_start3A_279 = tpu.memref_slice %arg5[%add3A_272, %dma_start3A_278] : memref<50x128xi32, #tpu.memory_space<vmem>> -> memref<1x64xi32, #tpu.memory_space<vmem>>
      %dma_start3A_280 = tpu.memref_squeeze %dma_start3A_279 : memref<1x64xi32, #tpu.memory_space<vmem>> -> memref<64xi32, #tpu.memory_space<vmem>>
      %dma_start3A_281 = arith.constant 0 : i32
      %dma_start3A_282 = arith.constant 0 : i32
      %dma_start3A_283 = tpu.memref_slice %arg2[%dma_start3A_281, %dma_start3A_282] : memref<100000x128xf32, #tpu.memory_space<hbm>> -> memref<100000x128xf32, #tpu.memory_space<hbm>>
      tpu.enqueue_indirect_dma source(%dma_start3A_283 : memref<100000x128xf32, #tpu.memory_space<hbm>>) target(%dma_start3A_277 : memref<64x128xf32, #tpu.memory_space<vmem>>) offsets(%dma_start3A_280 : memref<64xi32, #tpu.memory_space<vmem>>) semaphore(%arg12 : memref<!tpu.dma_semaphore, #tpu.memory_space<semaphore_mem>>)
      %gt3A_284 = arith.constant 0 : i32
      %gt3A_285 = arith.cmpi sgt, %scan3A_167, %gt3A_284 : i32
      %convert_element_type3A_286 = arith.extui %gt3A_285 : i1 to i32
      %cond3A_287 = arith.constant 0 : i32
      %cond3A_288 = arith.cmpi ne, %convert_element_type3A_286, %cond3A_287 : i32
      scf.if %cond3A_288 {
        %dma_wait3A_684 = arith.constant 6 : i32
        %dma_wait3A_685 = arith.constant 0 : i32
        %dma_wait3A_686 = arith.constant 0 : i32
        %dma_wait3A_687 = arith.constant 0 : i32
        %dma_wait3A_688 = tpu.memref_slice %arg6[%dma_wait3A_684, %dma_wait3A_686, %dma_wait3A_687] : memref<10x64x128xf32, #tpu.memory_space<vmem>> -> memref<1x64x128xf32, #tpu.memory_space<vmem>>
        %dma_wait3A_689 = tpu.memref_squeeze %dma_wait3A_688 : memref<1x64x128xf32, #tpu.memory_space<vmem>> -> memref<64x128xf32, #tpu.memory_space<vmem>>
        %dma_wait3A_690 = arith.constant 0 : i32
        %dma_wait3A_691 = tpu.memref_slice %arg4[%dma_wait3A_685, %mul3A_2, %dma_wait3A_690] : memref<50x4096x128xf32, #tpu.memory_space<hbm>> -> memref<1x64x128xf32, #tpu.memory_space<hbm>>
        %dma_wait3A_692 = tpu.memref_squeeze %dma_wait3A_691 : memref<1x64x128xf32, #tpu.memory_space<hbm>> -> memref<64x128xf32, #tpu.memory_space<hbm>>
        %dma_wait3A_693 = arith.constant 0 : i32
        %dma_wait3A_694 = tpu.memref_slice %arg4[%dma_wait3A_685, %mul3A_2, %dma_wait3A_693] : memref<50x4096x128xf32, #tpu.memory_space<hbm>> -> memref<1x64x128xf32, #tpu.memory_space<hbm>>
        %dma_wait3A_695 = tpu.memref_squeeze %dma_wait3A_694 : memref<1x64x128xf32, #tpu.memory_space<hbm>> -> memref<64x128xf32, #tpu.memory_space<hbm>>
        %dma_wait3A_696 = arith.constant 0 : i32
        %dma_wait3A_697 = arith.constant 0 : i32
        %dma_wait3A_698 = tpu.memref_slice %arg6[%dma_wait3A_684, %dma_wait3A_696, %dma_wait3A_697] : memref<10x64x128xf32, #tpu.memory_space<vmem>> -> memref<1x64x128xf32, #tpu.memory_space<vmem>>
        %dma_wait3A_699 = tpu.memref_squeeze %dma_wait3A_698 : memref<1x64x128xf32, #tpu.memory_space<vmem>> -> memref<64x128xf32, #tpu.memory_space<vmem>>
        tpu.wait_dma2 semaphore(%arg23 : memref<!tpu.dma_semaphore, #tpu.memory_space<semaphore_mem>>) src(%dma_wait3A_699 : memref<64x128xf32, #tpu.memory_space<vmem>>) dst(%dma_wait3A_695 : memref<64x128xf32, #tpu.memory_space<hbm>>)
      } else {
      }
      %mul3A_289 = arith.constant 5 : i32
      %mul3A_290 = arith.muli %scan3A_167, %mul3A_289 : i32
      %add3A_291 = arith.constant 3 : i32
      %add3A_292 = arith.addi %mul3A_290, %add3A_291 : i32
      %dma_start3A_293 = arith.constant 6 : i32
      %dma_start3A_294 = arith.constant 0 : i32
      %dma_start3A_295 = arith.constant 0 : i32
      %dma_start3A_296 = tpu.memref_slice %arg6[%dma_start3A_293, %dma_start3A_294, %dma_start3A_295] : memref<10x64x128xf32, #tpu.memory_space<vmem>> -> memref<1x64x128xf32, #tpu.memory_space<vmem>>
      %dma_start3A_297 = tpu.memref_squeeze %dma_start3A_296 : memref<1x64x128xf32, #tpu.memory_space<vmem>> -> memref<64x128xf32, #tpu.memory_space<vmem>>
      %dma_start3A_298 = arith.constant 0 : i32
      %dma_start3A_299 = tpu.memref_slice %arg5[%add3A_292, %dma_start3A_298] : memref<50x128xi32, #tpu.memory_space<vmem>> -> memref<1x64xi32, #tpu.memory_space<vmem>>
      %dma_start3A_300 = tpu.memref_squeeze %dma_start3A_299 : memref<1x64xi32, #tpu.memory_space<vmem>> -> memref<64xi32, #tpu.memory_space<vmem>>
      %dma_start3A_301 = arith.constant 0 : i32
      %dma_start3A_302 = arith.constant 0 : i32
      %dma_start3A_303 = tpu.memref_slice %arg2[%dma_start3A_301, %dma_start3A_302] : memref<100000x128xf32, #tpu.memory_space<hbm>> -> memref<100000x128xf32, #tpu.memory_space<hbm>>
      tpu.enqueue_indirect_dma source(%dma_start3A_303 : memref<100000x128xf32, #tpu.memory_space<hbm>>) target(%dma_start3A_297 : memref<64x128xf32, #tpu.memory_space<vmem>>) offsets(%dma_start3A_300 : memref<64xi32, #tpu.memory_space<vmem>>) semaphore(%arg13 : memref<!tpu.dma_semaphore, #tpu.memory_space<semaphore_mem>>)
      %gt3A_304 = arith.constant 0 : i32
      %gt3A_305 = arith.cmpi sgt, %scan3A_167, %gt3A_304 : i32
      %convert_element_type3A_306 = arith.extui %gt3A_305 : i1 to i32
      %cond3A_307 = arith.constant 0 : i32
      %cond3A_308 = arith.cmpi ne, %convert_element_type3A_306, %cond3A_307 : i32
      scf.if %cond3A_308 {
        %dma_wait3A_684 = arith.constant 7 : i32
        %dma_wait3A_685 = arith.constant 0 : i32
        %dma_wait3A_686 = arith.constant 0 : i32
        %dma_wait3A_687 = arith.constant 0 : i32
        %dma_wait3A_688 = tpu.memref_slice %arg6[%dma_wait3A_684, %dma_wait3A_686, %dma_wait3A_687] : memref<10x64x128xf32, #tpu.memory_space<vmem>> -> memref<1x64x128xf32, #tpu.memory_space<vmem>>
        %dma_wait3A_689 = tpu.memref_squeeze %dma_wait3A_688 : memref<1x64x128xf32, #tpu.memory_space<vmem>> -> memref<64x128xf32, #tpu.memory_space<vmem>>
        %dma_wait3A_690 = arith.constant 0 : i32
        %dma_wait3A_691 = tpu.memref_slice %arg4[%dma_wait3A_685, %mul3A_2, %dma_wait3A_690] : memref<50x4096x128xf32, #tpu.memory_space<hbm>> -> memref<1x64x128xf32, #tpu.memory_space<hbm>>
        %dma_wait3A_692 = tpu.memref_squeeze %dma_wait3A_691 : memref<1x64x128xf32, #tpu.memory_space<hbm>> -> memref<64x128xf32, #tpu.memory_space<hbm>>
        %dma_wait3A_693 = arith.constant 0 : i32
        %dma_wait3A_694 = tpu.memref_slice %arg4[%dma_wait3A_685, %mul3A_2, %dma_wait3A_693] : memref<50x4096x128xf32, #tpu.memory_space<hbm>> -> memref<1x64x128xf32, #tpu.memory_space<hbm>>
        %dma_wait3A_695 = tpu.memref_squeeze %dma_wait3A_694 : memref<1x64x128xf32, #tpu.memory_space<hbm>> -> memref<64x128xf32, #tpu.memory_space<hbm>>
        %dma_wait3A_696 = arith.constant 0 : i32
        %dma_wait3A_697 = arith.constant 0 : i32
        %dma_wait3A_698 = tpu.memref_slice %arg6[%dma_wait3A_684, %dma_wait3A_696, %dma_wait3A_697] : memref<10x64x128xf32, #tpu.memory_space<vmem>> -> memref<1x64x128xf32, #tpu.memory_space<vmem>>
        %dma_wait3A_699 = tpu.memref_squeeze %dma_wait3A_698 : memref<1x64x128xf32, #tpu.memory_space<vmem>> -> memref<64x128xf32, #tpu.memory_space<vmem>>
        tpu.wait_dma2 semaphore(%arg24 : memref<!tpu.dma_semaphore, #tpu.memory_space<semaphore_mem>>) src(%dma_wait3A_699 : memref<64x128xf32, #tpu.memory_space<vmem>>) dst(%dma_wait3A_695 : memref<64x128xf32, #tpu.memory_space<hbm>>)
      } else {
      }
      %mul3A_309 = arith.constant 5 : i32
      %mul3A_310 = arith.muli %scan3A_167, %mul3A_309 : i32
      %add3A_311 = arith.constant 3 : i32
      %add3A_312 = arith.addi %mul3A_310, %add3A_311 : i32
      %dma_start3A_313 = arith.constant 7 : i32
      %dma_start3A_314 = arith.constant 0 : i32
      %dma_start3A_315 = arith.constant 0 : i32
      %dma_start3A_316 = tpu.memref_slice %arg6[%dma_start3A_313, %dma_start3A_314, %dma_start3A_315] : memref<10x64x128xf32, #tpu.memory_space<vmem>> -> memref<1x64x128xf32, #tpu.memory_space<vmem>>
      %dma_start3A_317 = tpu.memref_squeeze %dma_start3A_316 : memref<1x64x128xf32, #tpu.memory_space<vmem>> -> memref<64x128xf32, #tpu.memory_space<vmem>>
      %dma_start3A_318 = arith.constant 64 : i32
      %dma_start3A_319 = tpu.memref_slice %arg5[%add3A_312, %dma_start3A_318] : memref<50x128xi32, #tpu.memory_space<vmem>> -> memref<1x64xi32, #tpu.memory_space<vmem>>
      %dma_start3A_320 = tpu.memref_squeeze %dma_start3A_319 : memref<1x64xi32, #tpu.memory_space<vmem>> -> memref<64xi32, #tpu.memory_space<vmem>>
      %dma_start3A_321 = arith.constant 0 : i32
      %dma_start3A_322 = arith.constant 0 : i32
      %dma_start3A_323 = tpu.memref_slice %arg2[%dma_start3A_321, %dma_start3A_322] : memref<100000x128xf32, #tpu.memory_space<hbm>> -> memref<100000x128xf32, #tpu.memory_space<hbm>>
      tpu.enqueue_indirect_dma source(%dma_start3A_323 : memref<100000x128xf32, #tpu.memory_space<hbm>>) target(%dma_start3A_317 : memref<64x128xf32, #tpu.memory_space<vmem>>) offsets(%dma_start3A_320 : memref<64xi32, #tpu.memory_space<vmem>>) semaphore(%arg14 : memref<!tpu.dma_semaphore, #tpu.memory_space<semaphore_mem>>)
      %gt3A_324 = arith.constant 0 : i32
      %gt3A_325 = arith.cmpi sgt, %scan3A_167, %gt3A_324 : i32
      %convert_element_type3A_326 = arith.extui %gt3A_325 : i1 to i32
      %cond3A_327 = arith.constant 0 : i32
      %cond3A_328 = arith.cmpi ne, %convert_element_type3A_326, %cond3A_327 : i32
      scf.if %cond3A_328 {
        %dma_wait3A_684 = arith.constant 8 : i32
        %dma_wait3A_685 = arith.constant 0 : i32
        %dma_wait3A_686 = arith.constant 0 : i32
        %dma_wait3A_687 = arith.constant 0 : i32
        %dma_wait3A_688 = tpu.memref_slice %arg6[%dma_wait3A_684, %dma_wait3A_686, %dma_wait3A_687] : memref<10x64x128xf32, #tpu.memory_space<vmem>> -> memref<1x64x128xf32, #tpu.memory_space<vmem>>
        %dma_wait3A_689 = tpu.memref_squeeze %dma_wait3A_688 : memref<1x64x128xf32, #tpu.memory_space<vmem>> -> memref<64x128xf32, #tpu.memory_space<vmem>>
        %dma_wait3A_690 = arith.constant 0 : i32
        %dma_wait3A_691 = tpu.memref_slice %arg4[%dma_wait3A_685, %mul3A_2, %dma_wait3A_690] : memref<50x4096x128xf32, #tpu.memory_space<hbm>> -> memref<1x64x128xf32, #tpu.memory_space<hbm>>
        %dma_wait3A_692 = tpu.memref_squeeze %dma_wait3A_691 : memref<1x64x128xf32, #tpu.memory_space<hbm>> -> memref<64x128xf32, #tpu.memory_space<hbm>>
        %dma_wait3A_693 = arith.constant 0 : i32
        %dma_wait3A_694 = tpu.memref_slice %arg4[%dma_wait3A_685, %mul3A_2, %dma_wait3A_693] : memref<50x4096x128xf32, #tpu.memory_space<hbm>> -> memref<1x64x128xf32, #tpu.memory_space<hbm>>
        %dma_wait3A_695 = tpu.memref_squeeze %dma_wait3A_694 : memref<1x64x128xf32, #tpu.memory_space<hbm>> -> memref<64x128xf32, #tpu.memory_space<hbm>>
        %dma_wait3A_696 = arith.constant 0 : i32
        %dma_wait3A_697 = arith.constant 0 : i32
        %dma_wait3A_698 = tpu.memref_slice %arg6[%dma_wait3A_684, %dma_wait3A_696, %dma_wait3A_697] : memref<10x64x128xf32, #tpu.memory_space<vmem>> -> memref<1x64x128xf32, #tpu.memory_space<vmem>>
        %dma_wait3A_699 = tpu.memref_squeeze %dma_wait3A_698 : memref<1x64x128xf32, #tpu.memory_space<vmem>> -> memref<64x128xf32, #tpu.memory_space<vmem>>
        tpu.wait_dma2 semaphore(%arg25 : memref<!tpu.dma_semaphore, #tpu.memory_space<semaphore_mem>>) src(%dma_wait3A_699 : memref<64x128xf32, #tpu.memory_space<vmem>>) dst(%dma_wait3A_695 : memref<64x128xf32, #tpu.memory_space<hbm>>)
      } else {
      }
      %mul3A_329 = arith.constant 5 : i32
      %mul3A_330 = arith.muli %scan3A_167, %mul3A_329 : i32
      %add3A_331 = arith.constant 4 : i32
      %add3A_332 = arith.addi %mul3A_330, %add3A_331 : i32
      %dma_start3A_333 = arith.constant 8 : i32
      %dma_start3A_334 = arith.constant 0 : i32
      %dma_start3A_335 = arith.constant 0 : i32
      %dma_start3A_336 = tpu.memref_slice %arg6[%dma_start3A_333, %dma_start3A_334, %dma_start3A_335] : memref<10x64x128xf32, #tpu.memory_space<vmem>> -> memref<1x64x128xf32, #tpu.memory_space<vmem>>
      %dma_start3A_337 = tpu.memref_squeeze %dma_start3A_336 : memref<1x64x128xf32, #tpu.memory_space<vmem>> -> memref<64x128xf32, #tpu.memory_space<vmem>>
      %dma_start3A_338 = arith.constant 0 : i32
      %dma_start3A_339 = tpu.memref_slice %arg5[%add3A_332, %dma_start3A_338] : memref<50x128xi32, #tpu.memory_space<vmem>> -> memref<1x64xi32, #tpu.memory_space<vmem>>
      %dma_start3A_340 = tpu.memref_squeeze %dma_start3A_339 : memref<1x64xi32, #tpu.memory_space<vmem>> -> memref<64xi32, #tpu.memory_space<vmem>>
      %dma_start3A_341 = arith.constant 0 : i32
      %dma_start3A_342 = arith.constant 0 : i32
      %dma_start3A_343 = tpu.memref_slice %arg2[%dma_start3A_341, %dma_start3A_342] : memref<100000x128xf32, #tpu.memory_space<hbm>> -> memref<100000x128xf32, #tpu.memory_space<hbm>>
      tpu.enqueue_indirect_dma source(%dma_start3A_343 : memref<100000x128xf32, #tpu.memory_space<hbm>>) target(%dma_start3A_337 : memref<64x128xf32, #tpu.memory_space<vmem>>) offsets(%dma_start3A_340 : memref<64xi32, #tpu.memory_space<vmem>>) semaphore(%arg15 : memref<!tpu.dma_semaphore, #tpu.memory_space<semaphore_mem>>)
      %gt3A_344 = arith.constant 0 : i32
      %gt3A_345 = arith.cmpi sgt, %scan3A_167, %gt3A_344 : i32
      %convert_element_type3A_346 = arith.extui %gt3A_345 : i1 to i32
      %cond3A_347 = arith.constant 0 : i32
      %cond3A_348 = arith.cmpi ne, %convert_element_type3A_346, %cond3A_347 : i32
      scf.if %cond3A_348 {
        %dma_wait3A_684 = arith.constant 9 : i32
        %dma_wait3A_685 = arith.constant 0 : i32
        %dma_wait3A_686 = arith.constant 0 : i32
        %dma_wait3A_687 = arith.constant 0 : i32
        %dma_wait3A_688 = tpu.memref_slice %arg6[%dma_wait3A_684, %dma_wait3A_686, %dma_wait3A_687] : memref<10x64x128xf32, #tpu.memory_space<vmem>> -> memref<1x64x128xf32, #tpu.memory_space<vmem>>
        %dma_wait3A_689 = tpu.memref_squeeze %dma_wait3A_688 : memref<1x64x128xf32, #tpu.memory_space<vmem>> -> memref<64x128xf32, #tpu.memory_space<vmem>>
        %dma_wait3A_690 = arith.constant 0 : i32
        %dma_wait3A_691 = tpu.memref_slice %arg4[%dma_wait3A_685, %mul3A_2, %dma_wait3A_690] : memref<50x4096x128xf32, #tpu.memory_space<hbm>> -> memref<1x64x128xf32, #tpu.memory_space<hbm>>
        %dma_wait3A_692 = tpu.memref_squeeze %dma_wait3A_691 : memref<1x64x128xf32, #tpu.memory_space<hbm>> -> memref<64x128xf32, #tpu.memory_space<hbm>>
        %dma_wait3A_693 = arith.constant 0 : i32
        %dma_wait3A_694 = tpu.memref_slice %arg4[%dma_wait3A_685, %mul3A_2, %dma_wait3A_693] : memref<50x4096x128xf32, #tpu.memory_space<hbm>> -> memref<1x64x128xf32, #tpu.memory_space<hbm>>
        %dma_wait3A_695 = tpu.memref_squeeze %dma_wait3A_694 : memref<1x64x128xf32, #tpu.memory_space<hbm>> -> memref<64x128xf32, #tpu.memory_space<hbm>>
        %dma_wait3A_696 = arith.constant 0 : i32
        %dma_wait3A_697 = arith.constant 0 : i32
        %dma_wait3A_698 = tpu.memref_slice %arg6[%dma_wait3A_684, %dma_wait3A_696, %dma_wait3A_697] : memref<10x64x128xf32, #tpu.memory_space<vmem>> -> memref<1x64x128xf32, #tpu.memory_space<vmem>>
        %dma_wait3A_699 = tpu.memref_squeeze %dma_wait3A_698 : memref<1x64x128xf32, #tpu.memory_space<vmem>> -> memref<64x128xf32, #tpu.memory_space<vmem>>
        tpu.wait_dma2 semaphore(%arg26 : memref<!tpu.dma_semaphore, #tpu.memory_space<semaphore_mem>>) src(%dma_wait3A_699 : memref<64x128xf32, #tpu.memory_space<vmem>>) dst(%dma_wait3A_695 : memref<64x128xf32, #tpu.memory_space<hbm>>)
      } else {
      }
      %mul3A_349 = arith.constant 5 : i32
      %mul3A_350 = arith.muli %scan3A_167, %mul3A_349 : i32
      %add3A_351 = arith.constant 4 : i32
      %add3A_352 = arith.addi %mul3A_350, %add3A_351 : i32
      %dma_start3A_353 = arith.constant 9 : i32
      %dma_start3A_354 = arith.constant 0 : i32
      %dma_start3A_355 = arith.constant 0 : i32
      %dma_start3A_356 = tpu.memref_slice %arg6[%dma_start3A_353, %dma_start3A_354, %dma_start3A_355] : memref<10x64x128xf32, #tpu.memory_space<vmem>> -> memref<1x64x128xf32, #tpu.memory_space<vmem>>
      %dma_start3A_357 = tpu.memref_squeeze %dma_start3A_356 : memref<1x64x128xf32, #tpu.memory_space<vmem>> -> memref<64x128xf32, #tpu.memory_space<vmem>>
      %dma_start3A_358 = arith.constant 64 : i32
      %dma_start3A_359 = tpu.memref_slice %arg5[%add3A_352, %dma_start3A_358] : memref<50x128xi32, #tpu.memory_space<vmem>> -> memref<1x64xi32, #tpu.memory_space<vmem>>
      %dma_start3A_360 = tpu.memref_squeeze %dma_start3A_359 : memref<1x64xi32, #tpu.memory_space<vmem>> -> memref<64xi32, #tpu.memory_space<vmem>>
      %dma_start3A_361 = arith.constant 0 : i32
      %dma_start3A_362 = arith.constant 0 : i32
      %dma_start3A_363 = tpu.memref_slice %arg2[%dma_start3A_361, %dma_start3A_362] : memref<100000x128xf32, #tpu.memory_space<hbm>> -> memref<100000x128xf32, #tpu.memory_space<hbm>>
      tpu.enqueue_indirect_dma source(%dma_start3A_363 : memref<100000x128xf32, #tpu.memory_space<hbm>>) target(%dma_start3A_357 : memref<64x128xf32, #tpu.memory_space<vmem>>) offsets(%dma_start3A_360 : memref<64xi32, #tpu.memory_space<vmem>>) semaphore(%arg16 : memref<!tpu.dma_semaphore, #tpu.memory_space<semaphore_mem>>)
      %mul3A_364 = arith.constant 5 : i32
      %mul3A_365 = arith.muli %scan3A_167, %mul3A_364 : i32
      %add3A_366 = arith.constant 0 : i32
      %add3A_367 = arith.addi %mul3A_365, %add3A_366 : i32
      %dma_wait3A_368 = arith.constant 0 : i32
      %dma_wait3A_369 = arith.constant 0 : i32
      %dma_wait3A_370 = arith.constant 0 : i32
      %dma_wait3A_371 = tpu.memref_slice %arg6[%dma_wait3A_368, %dma_wait3A_369, %dma_wait3A_370] : memref<10x64x128xf32, #tpu.memory_space<vmem>> -> memref<1x64x128xf32, #tpu.memory_space<vmem>>
      %dma_wait3A_372 = tpu.memref_squeeze %dma_wait3A_371 : memref<1x64x128xf32, #tpu.memory_space<vmem>> -> memref<64x128xf32, #tpu.memory_space<vmem>>
      %dma_wait3A_373 = arith.constant 0 : i32
      %dma_wait3A_374 = tpu.memref_slice %arg5[%add3A_173, %dma_wait3A_373] : memref<50x128xi32, #tpu.memory_space<vmem>> -> memref<1x64xi32, #tpu.memory_space<vmem>>
      %dma_wait3A_375 = tpu.memref_squeeze %dma_wait3A_374 : memref<1x64xi32, #tpu.memory_space<vmem>> -> memref<64xi32, #tpu.memory_space<vmem>>
      %dma_wait3A_376 = arith.constant 0 : i32
      %dma_wait3A_377 = arith.constant 0 : i32
      %dma_wait3A_378 = tpu.memref_slice %arg2[%dma_wait3A_376, %dma_wait3A_377] : memref<100000x128xf32, #tpu.memory_space<hbm>> -> memref<100000x128xf32, #tpu.memory_space<hbm>>
      tpu.wait_indirect_dma semaphore(%arg7 : memref<!tpu.dma_semaphore, #tpu.memory_space<semaphore_mem>>) src(%dma_wait3A_378 : memref<100000x128xf32, #tpu.memory_space<hbm>>) dst(%dma_wait3A_372 : memref<64x128xf32, #tpu.memory_space<vmem>>)
      %add3A_379 = arith.constant 0 : i32
      %add3A_380 = arith.addi %mul3A_2, %add3A_379 : i32
      %dma_start3A_381 = arith.constant 0 : i32
      %dma_start3A_382 = arith.constant 0 : i32
      %dma_start3A_383 = arith.constant 0 : i32
      %dma_start3A_384 = tpu.memref_slice %arg6[%dma_start3A_381, %dma_start3A_382, %dma_start3A_383] : memref<10x64x128xf32, #tpu.memory_space<vmem>> -> memref<1x64x128xf32, #tpu.memory_space<vmem>>
      %dma_start3A_385 = tpu.memref_squeeze %dma_start3A_384 : memref<1x64x128xf32, #tpu.memory_space<vmem>> -> memref<64x128xf32, #tpu.memory_space<vmem>>
      %dma_start3A_386 = arith.constant 0 : i32
      %dma_start3A_387 = tpu.memref_slice %arg4[%add3A_367, %add3A_380, %dma_start3A_386] : memref<50x4096x128xf32, #tpu.memory_space<hbm>> -> memref<1x64x128xf32, #tpu.memory_space<hbm>>
      %dma_start3A_388 = tpu.memref_squeeze %dma_start3A_387 : memref<1x64x128xf32, #tpu.memory_space<hbm>> -> memref<64x128xf32, #tpu.memory_space<hbm>>
      %dma_start3A_389 = arith.constant 0 : i32
      %dma_start3A_390 = tpu.memref_slice %arg4[%add3A_367, %add3A_380, %dma_start3A_389] : memref<50x4096x128xf32, #tpu.memory_space<hbm>> -> memref<1x64x128xf32, #tpu.memory_space<hbm>>
      %dma_start3A_391 = tpu.memref_squeeze %dma_start3A_390 : memref<1x64x128xf32, #tpu.memory_space<hbm>> -> memref<64x128xf32, #tpu.memory_space<hbm>>
      %dma_start3A_392 = arith.constant 0 : i32
      %dma_start3A_393 = arith.constant 0 : i32
      %dma_start3A_394 = tpu.memref_slice %arg6[%dma_start3A_381, %dma_start3A_392, %dma_start3A_393] : memref<10x64x128xf32, #tpu.memory_space<vmem>> -> memref<1x64x128xf32, #tpu.memory_space<vmem>>
      %dma_start3A_395 = tpu.memref_squeeze %dma_start3A_394 : memref<1x64x128xf32, #tpu.memory_space<vmem>> -> memref<64x128xf32, #tpu.memory_space<vmem>>
      tpu.enqueue_dma source(%dma_start3A_395 : memref<64x128xf32, #tpu.memory_space<vmem>>) target(%dma_start3A_391 : memref<64x128xf32, #tpu.memory_space<hbm>>) target_semaphore(%arg17 : memref<!tpu.dma_semaphore, #tpu.memory_space<semaphore_mem>>)
      %mul3A_396 = arith.constant 5 : i32
      %mul3A_397 = arith.muli %scan3A_167, %mul3A_396 : i32
      %add3A_398 = arith.constant 0 : i32
      %add3A_399 = arith.addi %mul3A_397, %add3A_398 : i32
      %dma_wait3A_400 = arith.constant 1 : i32
      %dma_wait3A_401 = arith.constant 0 : i32
      %dma_wait3A_402 = arith.constant 0 : i32
      %dma_wait3A_403 = tpu.memref_slice %arg6[%dma_wait3A_400, %dma_wait3A_401, %dma_wait3A_402] : memref<10x64x128xf32, #tpu.memory_space<vmem>> -> memref<1x64x128xf32, #tpu.memory_space<vmem>>
      %dma_wait3A_404 = tpu.memref_squeeze %dma_wait3A_403 : memref<1x64x128xf32, #tpu.memory_space<vmem>> -> memref<64x128xf32, #tpu.memory_space<vmem>>
      %dma_wait3A_405 = arith.constant 64 : i32
      %dma_wait3A_406 = tpu.memref_slice %arg5[%add3A_192, %dma_wait3A_405] : memref<50x128xi32, #tpu.memory_space<vmem>> -> memref<1x64xi32, #tpu.memory_space<vmem>>
      %dma_wait3A_407 = tpu.memref_squeeze %dma_wait3A_406 : memref<1x64xi32, #tpu.memory_space<vmem>> -> memref<64xi32, #tpu.memory_space<vmem>>
      %dma_wait3A_408 = arith.constant 0 : i32
      %dma_wait3A_409 = arith.constant 0 : i32
      %dma_wait3A_410 = tpu.memref_slice %arg2[%dma_wait3A_408, %dma_wait3A_409] : memref<100000x128xf32, #tpu.memory_space<hbm>> -> memref<100000x128xf32, #tpu.memory_space<hbm>>
      tpu.wait_indirect_dma semaphore(%arg8 : memref<!tpu.dma_semaphore, #tpu.memory_space<semaphore_mem>>) src(%dma_wait3A_410 : memref<100000x128xf32, #tpu.memory_space<hbm>>) dst(%dma_wait3A_404 : memref<64x128xf32, #tpu.memory_space<vmem>>)
      %add3A_411 = arith.constant 64 : i32
      %add3A_412 = arith.addi %mul3A_2, %add3A_411 : i32
      %dma_start3A_413 = arith.constant 1 : i32
      %dma_start3A_414 = arith.constant 0 : i32
      %dma_start3A_415 = arith.constant 0 : i32
      %dma_start3A_416 = tpu.memref_slice %arg6[%dma_start3A_413, %dma_start3A_414, %dma_start3A_415] : memref<10x64x128xf32, #tpu.memory_space<vmem>> -> memref<1x64x128xf32, #tpu.memory_space<vmem>>
      %dma_start3A_417 = tpu.memref_squeeze %dma_start3A_416 : memref<1x64x128xf32, #tpu.memory_space<vmem>> -> memref<64x128xf32, #tpu.memory_space<vmem>>
      %dma_start3A_418 = arith.constant 0 : i32
      %dma_start3A_419 = tpu.memref_slice %arg4[%add3A_399, %add3A_412, %dma_start3A_418] : memref<50x4096x128xf32, #tpu.memory_space<hbm>> -> memref<1x64x128xf32, #tpu.memory_space<hbm>>
      %dma_start3A_420 = tpu.memref_squeeze %dma_start3A_419 : memref<1x64x128xf32, #tpu.memory_space<hbm>> -> memref<64x128xf32, #tpu.memory_space<hbm>>
      %dma_start3A_421 = arith.constant 0 : i32
      %dma_start3A_422 = tpu.memref_slice %arg4[%add3A_399, %add3A_412, %dma_start3A_421] : memref<50x4096x128xf32, #tpu.memory_space<hbm>> -> memref<1x64x128xf32, #tpu.memory_space<hbm>>
      %dma_start3A_423 = tpu.memref_squeeze %dma_start3A_422 : memref<1x64x128xf32, #tpu.memory_space<hbm>> -> memref<64x128xf32, #tpu.memory_space<hbm>>
      %dma_start3A_424 = arith.constant 0 : i32
      %dma_start3A_425 = arith.constant 0 : i32
      %dma_start3A_426 = tpu.memref_slice %arg6[%dma_start3A_413, %dma_start3A_424, %dma_start3A_425] : memref<10x64x128xf32, #tpu.memory_space<vmem>> -> memref<1x64x128xf32, #tpu.memory_space<vmem>>
      %dma_start3A_427 = tpu.memref_squeeze %dma_start3A_426 : memref<1x64x128xf32, #tpu.memory_space<vmem>> -> memref<64x128xf32, #tpu.memory_space<vmem>>
      tpu.enqueue_dma source(%dma_start3A_427 : memref<64x128xf32, #tpu.memory_space<vmem>>) target(%dma_start3A_423 : memref<64x128xf32, #tpu.memory_space<hbm>>) target_semaphore(%arg18 : memref<!tpu.dma_semaphore, #tpu.memory_space<semaphore_mem>>)
      %mul3A_428 = arith.constant 5 : i32
      %mul3A_429 = arith.muli %scan3A_167, %mul3A_428 : i32
      %add3A_430 = arith.constant 1 : i32
      %add3A_431 = arith.addi %mul3A_429, %add3A_430 : i32
      %dma_wait3A_432 = arith.constant 2 : i32
      %dma_wait3A_433 = arith.constant 0 : i32
      %dma_wait3A_434 = arith.constant 0 : i32
      %dma_wait3A_435 = tpu.memref_slice %arg6[%dma_wait3A_432, %dma_wait3A_433, %dma_wait3A_434] : memref<10x64x128xf32, #tpu.memory_space<vmem>> -> memref<1x64x128xf32, #tpu.memory_space<vmem>>
      %dma_wait3A_436 = tpu.memref_squeeze %dma_wait3A_435 : memref<1x64x128xf32, #tpu.memory_space<vmem>> -> memref<64x128xf32, #tpu.memory_space<vmem>>
      %dma_wait3A_437 = arith.constant 0 : i32
      %dma_wait3A_438 = tpu.memref_slice %arg5[%add3A_212, %dma_wait3A_437] : memref<50x128xi32, #tpu.memory_space<vmem>> -> memref<1x64xi32, #tpu.memory_space<vmem>>
      %dma_wait3A_439 = tpu.memref_squeeze %dma_wait3A_438 : memref<1x64xi32, #tpu.memory_space<vmem>> -> memref<64xi32, #tpu.memory_space<vmem>>
      %dma_wait3A_440 = arith.constant 0 : i32
      %dma_wait3A_441 = arith.constant 0 : i32
      %dma_wait3A_442 = tpu.memref_slice %arg2[%dma_wait3A_440, %dma_wait3A_441] : memref<100000x128xf32, #tpu.memory_space<hbm>> -> memref<100000x128xf32, #tpu.memory_space<hbm>>
      tpu.wait_indirect_dma semaphore(%arg9 : memref<!tpu.dma_semaphore, #tpu.memory_space<semaphore_mem>>) src(%dma_wait3A_442 : memref<100000x128xf32, #tpu.memory_space<hbm>>) dst(%dma_wait3A_436 : memref<64x128xf32, #tpu.memory_space<vmem>>)
      %add3A_443 = arith.constant 0 : i32
      %add3A_444 = arith.addi %mul3A_2, %add3A_443 : i32
      %dma_start3A_445 = arith.constant 2 : i32
      %dma_start3A_446 = arith.constant 0 : i32
      %dma_start3A_447 = arith.constant 0 : i32
      %dma_start3A_448 = tpu.memref_slice %arg6[%dma_start3A_445, %dma_start3A_446, %dma_start3A_447] : memref<10x64x128xf32, #tpu.memory_space<vmem>> -> memref<1x64x128xf32, #tpu.memory_space<vmem>>
      %dma_start3A_449 = tpu.memref_squeeze %dma_start3A_448 : memref<1x64x128xf32, #tpu.memory_space<vmem>> -> memref<64x128xf32, #tpu.memory_space<vmem>>
      %dma_start3A_450 = arith.constant 0 : i32
      %dma_start3A_451 = tpu.memref_slice %arg4[%add3A_431, %add3A_444, %dma_start3A_450] : memref<50x4096x128xf32, #tpu.memory_space<hbm>> -> memref<1x64x128xf32, #tpu.memory_space<hbm>>
      %dma_start3A_452 = tpu.memref_squeeze %dma_start3A_451 : memref<1x64x128xf32, #tpu.memory_space<hbm>> -> memref<64x128xf32, #tpu.memory_space<hbm>>
      %dma_start3A_453 = arith.constant 0 : i32
      %dma_start3A_454 = tpu.memref_slice %arg4[%add3A_431, %add3A_444, %dma_start3A_453] : memref<50x4096x128xf32, #tpu.memory_space<hbm>> -> memref<1x64x128xf32, #tpu.memory_space<hbm>>
      %dma_start3A_455 = tpu.memref_squeeze %dma_start3A_454 : memref<1x64x128xf32, #tpu.memory_space<hbm>> -> memref<64x128xf32, #tpu.memory_space<hbm>>
      %dma_start3A_456 = arith.constant 0 : i32
      %dma_start3A_457 = arith.constant 0 : i32
      %dma_start3A_458 = tpu.memref_slice %arg6[%dma_start3A_445, %dma_start3A_456, %dma_start3A_457] : memref<10x64x128xf32, #tpu.memory_space<vmem>> -> memref<1x64x128xf32, #tpu.memory_space<vmem>>
      %dma_start3A_459 = tpu.memref_squeeze %dma_start3A_458 : memref<1x64x128xf32, #tpu.memory_space<vmem>> -> memref<64x128xf32, #tpu.memory_space<vmem>>
      tpu.enqueue_dma source(%dma_start3A_459 : memref<64x128xf32, #tpu.memory_space<vmem>>) target(%dma_start3A_455 : memref<64x128xf32, #tpu.memory_space<hbm>>) target_semaphore(%arg19 : memref<!tpu.dma_semaphore, #tpu.memory_space<semaphore_mem>>)
      %mul3A_460 = arith.constant 5 : i32
      %mul3A_461 = arith.muli %scan3A_167, %mul3A_460 : i32
      %add3A_462 = arith.constant 1 : i32
      %add3A_463 = arith.addi %mul3A_461, %add3A_462 : i32
      %dma_wait3A_464 = arith.constant 3 : i32
      %dma_wait3A_465 = arith.constant 0 : i32
      %dma_wait3A_466 = arith.constant 0 : i32
      %dma_wait3A_467 = tpu.memref_slice %arg6[%dma_wait3A_464, %dma_wait3A_465, %dma_wait3A_466] : memref<10x64x128xf32, #tpu.memory_space<vmem>> -> memref<1x64x128xf32, #tpu.memory_space<vmem>>
      %dma_wait3A_468 = tpu.memref_squeeze %dma_wait3A_467 : memref<1x64x128xf32, #tpu.memory_space<vmem>> -> memref<64x128xf32, #tpu.memory_space<vmem>>
      %dma_wait3A_469 = arith.constant 64 : i32
      %dma_wait3A_470 = tpu.memref_slice %arg5[%add3A_232, %dma_wait3A_469] : memref<50x128xi32, #tpu.memory_space<vmem>> -> memref<1x64xi32, #tpu.memory_space<vmem>>
      %dma_wait3A_471 = tpu.memref_squeeze %dma_wait3A_470 : memref<1x64xi32, #tpu.memory_space<vmem>> -> memref<64xi32, #tpu.memory_space<vmem>>
      %dma_wait3A_472 = arith.constant 0 : i32
      %dma_wait3A_473 = arith.constant 0 : i32
      %dma_wait3A_474 = tpu.memref_slice %arg2[%dma_wait3A_472, %dma_wait3A_473] : memref<100000x128xf32, #tpu.memory_space<hbm>> -> memref<100000x128xf32, #tpu.memory_space<hbm>>
      tpu.wait_indirect_dma semaphore(%arg10 : memref<!tpu.dma_semaphore, #tpu.memory_space<semaphore_mem>>) src(%dma_wait3A_474 : memref<100000x128xf32, #tpu.memory_space<hbm>>) dst(%dma_wait3A_468 : memref<64x128xf32, #tpu.memory_space<vmem>>)
      %add3A_475 = arith.constant 64 : i32
      %add3A_476 = arith.addi %mul3A_2, %add3A_475 : i32
      %dma_start3A_477 = arith.constant 3 : i32
      %dma_start3A_478 = arith.constant 0 : i32
      %dma_start3A_479 = arith.constant 0 : i32
      %dma_start3A_480 = tpu.memref_slice %arg6[%dma_start3A_477, %dma_start3A_478, %dma_start3A_479] : memref<10x64x128xf32, #tpu.memory_space<vmem>> -> memref<1x64x128xf32, #tpu.memory_space<vmem>>
      %dma_start3A_481 = tpu.memref_squeeze %dma_start3A_480 : memref<1x64x128xf32, #tpu.memory_space<vmem>> -> memref<64x128xf32, #tpu.memory_space<vmem>>
      %dma_start3A_482 = arith.constant 0 : i32
      %dma_start3A_483 = tpu.memref_slice %arg4[%add3A_463, %add3A_476, %dma_start3A_482] : memref<50x4096x128xf32, #tpu.memory_space<hbm>> -> memref<1x64x128xf32, #tpu.memory_space<hbm>>
      %dma_start3A_484 = tpu.memref_squeeze %dma_start3A_483 : memref<1x64x128xf32, #tpu.memory_space<hbm>> -> memref<64x128xf32, #tpu.memory_space<hbm>>
      %dma_start3A_485 = arith.constant 0 : i32
      %dma_start3A_486 = tpu.memref_slice %arg4[%add3A_463, %add3A_476, %dma_start3A_485] : memref<50x4096x128xf32, #tpu.memory_space<hbm>> -> memref<1x64x128xf32, #tpu.memory_space<hbm>>
      %dma_start3A_487 = tpu.memref_squeeze %dma_start3A_486 : memref<1x64x128xf32, #tpu.memory_space<hbm>> -> memref<64x128xf32, #tpu.memory_space<hbm>>
      %dma_start3A_488 = arith.constant 0 : i32
      %dma_start3A_489 = arith.constant 0 : i32
      %dma_start3A_490 = tpu.memref_slice %arg6[%dma_start3A_477, %dma_start3A_488, %dma_start3A_489] : memref<10x64x128xf32, #tpu.memory_space<vmem>> -> memref<1x64x128xf32, #tpu.memory_space<vmem>>
      %dma_start3A_491 = tpu.memref_squeeze %dma_start3A_490 : memref<1x64x128xf32, #tpu.memory_space<vmem>> -> memref<64x128xf32, #tpu.memory_space<vmem>>
      tpu.enqueue_dma source(%dma_start3A_491 : memref<64x128xf32, #tpu.memory_space<vmem>>) target(%dma_start3A_487 : memref<64x128xf32, #tpu.memory_space<hbm>>) target_semaphore(%arg20 : memref<!tpu.dma_semaphore, #tpu.memory_space<semaphore_mem>>)
      %mul3A_492 = arith.constant 5 : i32
      %mul3A_493 = arith.muli %scan3A_167, %mul3A_492 : i32
      %add3A_494 = arith.constant 2 : i32
      %add3A_495 = arith.addi %mul3A_493, %add3A_494 : i32
      %dma_wait3A_496 = arith.constant 4 : i32
      %dma_wait3A_497 = arith.constant 0 : i32
      %dma_wait3A_498 = arith.constant 0 : i32
      %dma_wait3A_499 = tpu.memref_slice %arg6[%dma_wait3A_496, %dma_wait3A_497, %dma_wait3A_498] : memref<10x64x128xf32, #tpu.memory_space<vmem>> -> memref<1x64x128xf32, #tpu.memory_space<vmem>>
      %dma_wait3A_500 = tpu.memref_squeeze %dma_wait3A_499 : memref<1x64x128xf32, #tpu.memory_space<vmem>> -> memref<64x128xf32, #tpu.memory_space<vmem>>
      %dma_wait3A_501 = arith.constant 0 : i32
      %dma_wait3A_502 = tpu.memref_slice %arg5[%add3A_252, %dma_wait3A_501] : memref<50x128xi32, #tpu.memory_space<vmem>> -> memref<1x64xi32, #tpu.memory_space<vmem>>
      %dma_wait3A_503 = tpu.memref_squeeze %dma_wait3A_502 : memref<1x64xi32, #tpu.memory_space<vmem>> -> memref<64xi32, #tpu.memory_space<vmem>>
      %dma_wait3A_504 = arith.constant 0 : i32
      %dma_wait3A_505 = arith.constant 0 : i32
      %dma_wait3A_506 = tpu.memref_slice %arg2[%dma_wait3A_504, %dma_wait3A_505] : memref<100000x128xf32, #tpu.memory_space<hbm>> -> memref<100000x128xf32, #tpu.memory_space<hbm>>
      tpu.wait_indirect_dma semaphore(%arg11 : memref<!tpu.dma_semaphore, #tpu.memory_space<semaphore_mem>>) src(%dma_wait3A_506 : memref<100000x128xf32, #tpu.memory_space<hbm>>) dst(%dma_wait3A_500 : memref<64x128xf32, #tpu.memory_space<vmem>>)
      %add3A_507 = arith.constant 0 : i32
      %add3A_508 = arith.addi %mul3A_2, %add3A_507 : i32
      %dma_start3A_509 = arith.constant 4 : i32
      %dma_start3A_510 = arith.constant 0 : i32
      %dma_start3A_511 = arith.constant 0 : i32
      %dma_start3A_512 = tpu.memref_slice %arg6[%dma_start3A_509, %dma_start3A_510, %dma_start3A_511] : memref<10x64x128xf32, #tpu.memory_space<vmem>> -> memref<1x64x128xf32, #tpu.memory_space<vmem>>
      %dma_start3A_513 = tpu.memref_squeeze %dma_start3A_512 : memref<1x64x128xf32, #tpu.memory_space<vmem>> -> memref<64x128xf32, #tpu.memory_space<vmem>>
      %dma_start3A_514 = arith.constant 0 : i32
      %dma_start3A_515 = tpu.memref_slice %arg4[%add3A_495, %add3A_508, %dma_start3A_514] : memref<50x4096x128xf32, #tpu.memory_space<hbm>> -> memref<1x64x128xf32, #tpu.memory_space<hbm>>
      %dma_start3A_516 = tpu.memref_squeeze %dma_start3A_515 : memref<1x64x128xf32, #tpu.memory_space<hbm>> -> memref<64x128xf32, #tpu.memory_space<hbm>>
      %dma_start3A_517 = arith.constant 0 : i32
      %dma_start3A_518 = tpu.memref_slice %arg4[%add3A_495, %add3A_508, %dma_start3A_517] : memref<50x4096x128xf32, #tpu.memory_space<hbm>> -> memref<1x64x128xf32, #tpu.memory_space<hbm>>
      %dma_start3A_519 = tpu.memref_squeeze %dma_start3A_518 : memref<1x64x128xf32, #tpu.memory_space<hbm>> -> memref<64x128xf32, #tpu.memory_space<hbm>>
      %dma_start3A_520 = arith.constant 0 : i32
      %dma_start3A_521 = arith.constant 0 : i32
      %dma_start3A_522 = tpu.memref_slice %arg6[%dma_start3A_509, %dma_start3A_520, %dma_start3A_521] : memref<10x64x128xf32, #tpu.memory_space<vmem>> -> memref<1x64x128xf32, #tpu.memory_space<vmem>>
      %dma_start3A_523 = tpu.memref_squeeze %dma_start3A_522 : memref<1x64x128xf32, #tpu.memory_space<vmem>> -> memref<64x128xf32, #tpu.memory_space<vmem>>
      tpu.enqueue_dma source(%dma_start3A_523 : memref<64x128xf32, #tpu.memory_space<vmem>>) target(%dma_start3A_519 : memref<64x128xf32, #tpu.memory_space<hbm>>) target_semaphore(%arg21 : memref<!tpu.dma_semaphore, #tpu.memory_space<semaphore_mem>>)
      %mul3A_524 = arith.constant 5 : i32
      %mul3A_525 = arith.muli %scan3A_167, %mul3A_524 : i32
      %add3A_526 = arith.constant 2 : i32
      %add3A_527 = arith.addi %mul3A_525, %add3A_526 : i32
      %dma_wait3A_528 = arith.constant 5 : i32
      %dma_wait3A_529 = arith.constant 0 : i32
      %dma_wait3A_530 = arith.constant 0 : i32
      %dma_wait3A_531 = tpu.memref_slice %arg6[%dma_wait3A_528, %dma_wait3A_529, %dma_wait3A_530] : memref<10x64x128xf32, #tpu.memory_space<vmem>> -> memref<1x64x128xf32, #tpu.memory_space<vmem>>
      %dma_wait3A_532 = tpu.memref_squeeze %dma_wait3A_531 : memref<1x64x128xf32, #tpu.memory_space<vmem>> -> memref<64x128xf32, #tpu.memory_space<vmem>>
      %dma_wait3A_533 = arith.constant 64 : i32
      %dma_wait3A_534 = tpu.memref_slice %arg5[%add3A_272, %dma_wait3A_533] : memref<50x128xi32, #tpu.memory_space<vmem>> -> memref<1x64xi32, #tpu.memory_space<vmem>>
      %dma_wait3A_535 = tpu.memref_squeeze %dma_wait3A_534 : memref<1x64xi32, #tpu.memory_space<vmem>> -> memref<64xi32, #tpu.memory_space<vmem>>
      %dma_wait3A_536 = arith.constant 0 : i32
      %dma_wait3A_537 = arith.constant 0 : i32
      %dma_wait3A_538 = tpu.memref_slice %arg2[%dma_wait3A_536, %dma_wait3A_537] : memref<100000x128xf32, #tpu.memory_space<hbm>> -> memref<100000x128xf32, #tpu.memory_space<hbm>>
      tpu.wait_indirect_dma semaphore(%arg12 : memref<!tpu.dma_semaphore, #tpu.memory_space<semaphore_mem>>) src(%dma_wait3A_538 : memref<100000x128xf32, #tpu.memory_space<hbm>>) dst(%dma_wait3A_532 : memref<64x128xf32, #tpu.memory_space<vmem>>)
      %add3A_539 = arith.constant 64 : i32
      %add3A_540 = arith.addi %mul3A_2, %add3A_539 : i32
      %dma_start3A_541 = arith.constant 5 : i32
      %dma_start3A_542 = arith.constant 0 : i32
      %dma_start3A_543 = arith.constant 0 : i32
      %dma_start3A_544 = tpu.memref_slice %arg6[%dma_start3A_541, %dma_start3A_542, %dma_start3A_543] : memref<10x64x128xf32, #tpu.memory_space<vmem>> -> memref<1x64x128xf32, #tpu.memory_space<vmem>>
      %dma_start3A_545 = tpu.memref_squeeze %dma_start3A_544 : memref<1x64x128xf32, #tpu.memory_space<vmem>> -> memref<64x128xf32, #tpu.memory_space<vmem>>
      %dma_start3A_546 = arith.constant 0 : i32
      %dma_start3A_547 = tpu.memref_slice %arg4[%add3A_527, %add3A_540, %dma_start3A_546] : memref<50x4096x128xf32, #tpu.memory_space<hbm>> -> memref<1x64x128xf32, #tpu.memory_space<hbm>>
      %dma_start3A_548 = tpu.memref_squeeze %dma_start3A_547 : memref<1x64x128xf32, #tpu.memory_space<hbm>> -> memref<64x128xf32, #tpu.memory_space<hbm>>
      %dma_start3A_549 = arith.constant 0 : i32
      %dma_start3A_550 = tpu.memref_slice %arg4[%add3A_527, %add3A_540, %dma_start3A_549] : memref<50x4096x128xf32, #tpu.memory_space<hbm>> -> memref<1x64x128xf32, #tpu.memory_space<hbm>>
      %dma_start3A_551 = tpu.memref_squeeze %dma_start3A_550 : memref<1x64x128xf32, #tpu.memory_space<hbm>> -> memref<64x128xf32, #tpu.memory_space<hbm>>
      %dma_start3A_552 = arith.constant 0 : i32
      %dma_start3A_553 = arith.constant 0 : i32
      %dma_start3A_554 = tpu.memref_slice %arg6[%dma_start3A_541, %dma_start3A_552, %dma_start3A_553] : memref<10x64x128xf32, #tpu.memory_space<vmem>> -> memref<1x64x128xf32, #tpu.memory_space<vmem>>
      %dma_start3A_555 = tpu.memref_squeeze %dma_start3A_554 : memref<1x64x128xf32, #tpu.memory_space<vmem>> -> memref<64x128xf32, #tpu.memory_space<vmem>>
      tpu.enqueue_dma source(%dma_start3A_555 : memref<64x128xf32, #tpu.memory_space<vmem>>) target(%dma_start3A_551 : memref<64x128xf32, #tpu.memory_space<hbm>>) target_semaphore(%arg22 : memref<!tpu.dma_semaphore, #tpu.memory_space<semaphore_mem>>)
      %mul3A_556 = arith.constant 5 : i32
      %mul3A_557 = arith.muli %scan3A_167, %mul3A_556 : i32
      %add3A_558 = arith.constant 3 : i32
      %add3A_559 = arith.addi %mul3A_557, %add3A_558 : i32
      %dma_wait3A_560 = arith.constant 6 : i32
      %dma_wait3A_561 = arith.constant 0 : i32
      %dma_wait3A_562 = arith.constant 0 : i32
      %dma_wait3A_563 = tpu.memref_slice %arg6[%dma_wait3A_560, %dma_wait3A_561, %dma_wait3A_562] : memref<10x64x128xf32, #tpu.memory_space<vmem>> -> memref<1x64x128xf32, #tpu.memory_space<vmem>>
      %dma_wait3A_564 = tpu.memref_squeeze %dma_wait3A_563 : memref<1x64x128xf32, #tpu.memory_space<vmem>> -> memref<64x128xf32, #tpu.memory_space<vmem>>
      %dma_wait3A_565 = arith.constant 0 : i32
      %dma_wait3A_566 = tpu.memref_slice %arg5[%add3A_292, %dma_wait3A_565] : memref<50x128xi32, #tpu.memory_space<vmem>> -> memref<1x64xi32, #tpu.memory_space<vmem>>
      %dma_wait3A_567 = tpu.memref_squeeze %dma_wait3A_566 : memref<1x64xi32, #tpu.memory_space<vmem>> -> memref<64xi32, #tpu.memory_space<vmem>>
      %dma_wait3A_568 = arith.constant 0 : i32
      %dma_wait3A_569 = arith.constant 0 : i32
      %dma_wait3A_570 = tpu.memref_slice %arg2[%dma_wait3A_568, %dma_wait3A_569] : memref<100000x128xf32, #tpu.memory_space<hbm>> -> memref<100000x128xf32, #tpu.memory_space<hbm>>
      tpu.wait_indirect_dma semaphore(%arg13 : memref<!tpu.dma_semaphore, #tpu.memory_space<semaphore_mem>>) src(%dma_wait3A_570 : memref<100000x128xf32, #tpu.memory_space<hbm>>) dst(%dma_wait3A_564 : memref<64x128xf32, #tpu.memory_space<vmem>>)
      %add3A_571 = arith.constant 0 : i32
      %add3A_572 = arith.addi %mul3A_2, %add3A_571 : i32
      %dma_start3A_573 = arith.constant 6 : i32
      %dma_start3A_574 = arith.constant 0 : i32
      %dma_start3A_575 = arith.constant 0 : i32
      %dma_start3A_576 = tpu.memref_slice %arg6[%dma_start3A_573, %dma_start3A_574, %dma_start3A_575] : memref<10x64x128xf32, #tpu.memory_space<vmem>> -> memref<1x64x128xf32, #tpu.memory_space<vmem>>
      %dma_start3A_577 = tpu.memref_squeeze %dma_start3A_576 : memref<1x64x128xf32, #tpu.memory_space<vmem>> -> memref<64x128xf32, #tpu.memory_space<vmem>>
      %dma_start3A_578 = arith.constant 0 : i32
      %dma_start3A_579 = tpu.memref_slice %arg4[%add3A_559, %add3A_572, %dma_start3A_578] : memref<50x4096x128xf32, #tpu.memory_space<hbm>> -> memref<1x64x128xf32, #tpu.memory_space<hbm>>
      %dma_start3A_580 = tpu.memref_squeeze %dma_start3A_579 : memref<1x64x128xf32, #tpu.memory_space<hbm>> -> memref<64x128xf32, #tpu.memory_space<hbm>>
      %dma_start3A_581 = arith.constant 0 : i32
      %dma_start3A_582 = tpu.memref_slice %arg4[%add3A_559, %add3A_572, %dma_start3A_581] : memref<50x4096x128xf32, #tpu.memory_space<hbm>> -> memref<1x64x128xf32, #tpu.memory_space<hbm>>
      %dma_start3A_583 = tpu.memref_squeeze %dma_start3A_582 : memref<1x64x128xf32, #tpu.memory_space<hbm>> -> memref<64x128xf32, #tpu.memory_space<hbm>>
      %dma_start3A_584 = arith.constant 0 : i32
      %dma_start3A_585 = arith.constant 0 : i32
      %dma_start3A_586 = tpu.memref_slice %arg6[%dma_start3A_573, %dma_start3A_584, %dma_start3A_585] : memref<10x64x128xf32, #tpu.memory_space<vmem>> -> memref<1x64x128xf32, #tpu.memory_space<vmem>>
      %dma_start3A_587 = tpu.memref_squeeze %dma_start3A_586 : memref<1x64x128xf32, #tpu.memory_space<vmem>> -> memref<64x128xf32, #tpu.memory_space<vmem>>
      tpu.enqueue_dma source(%dma_start3A_587 : memref<64x128xf32, #tpu.memory_space<vmem>>) target(%dma_start3A_583 : memref<64x128xf32, #tpu.memory_space<hbm>>) target_semaphore(%arg23 : memref<!tpu.dma_semaphore, #tpu.memory_space<semaphore_mem>>)
      %mul3A_588 = arith.constant 5 : i32
      %mul3A_589 = arith.muli %scan3A_167, %mul3A_588 : i32
      %add3A_590 = arith.constant 3 : i32
      %add3A_591 = arith.addi %mul3A_589, %add3A_590 : i32
      %dma_wait3A_592 = arith.constant 7 : i32
      %dma_wait3A_593 = arith.constant 0 : i32
      %dma_wait3A_594 = arith.constant 0 : i32
      %dma_wait3A_595 = tpu.memref_slice %arg6[%dma_wait3A_592, %dma_wait3A_593, %dma_wait3A_594] : memref<10x64x128xf32, #tpu.memory_space<vmem>> -> memref<1x64x128xf32, #tpu.memory_space<vmem>>
      %dma_wait3A_596 = tpu.memref_squeeze %dma_wait3A_595 : memref<1x64x128xf32, #tpu.memory_space<vmem>> -> memref<64x128xf32, #tpu.memory_space<vmem>>
      %dma_wait3A_597 = arith.constant 64 : i32
      %dma_wait3A_598 = tpu.memref_slice %arg5[%add3A_312, %dma_wait3A_597] : memref<50x128xi32, #tpu.memory_space<vmem>> -> memref<1x64xi32, #tpu.memory_space<vmem>>
      %dma_wait3A_599 = tpu.memref_squeeze %dma_wait3A_598 : memref<1x64xi32, #tpu.memory_space<vmem>> -> memref<64xi32, #tpu.memory_space<vmem>>
      %dma_wait3A_600 = arith.constant 0 : i32
      %dma_wait3A_601 = arith.constant 0 : i32
      %dma_wait3A_602 = tpu.memref_slice %arg2[%dma_wait3A_600, %dma_wait3A_601] : memref<100000x128xf32, #tpu.memory_space<hbm>> -> memref<100000x128xf32, #tpu.memory_space<hbm>>
      tpu.wait_indirect_dma semaphore(%arg14 : memref<!tpu.dma_semaphore, #tpu.memory_space<semaphore_mem>>) src(%dma_wait3A_602 : memref<100000x128xf32, #tpu.memory_space<hbm>>) dst(%dma_wait3A_596 : memref<64x128xf32, #tpu.memory_space<vmem>>)
      %add3A_603 = arith.constant 64 : i32
      %add3A_604 = arith.addi %mul3A_2, %add3A_603 : i32
      %dma_start3A_605 = arith.constant 7 : i32
      %dma_start3A_606 = arith.constant 0 : i32
      %dma_start3A_607 = arith.constant 0 : i32
      %dma_start3A_608 = tpu.memref_slice %arg6[%dma_start3A_605, %dma_start3A_606, %dma_start3A_607] : memref<10x64x128xf32, #tpu.memory_space<vmem>> -> memref<1x64x128xf32, #tpu.memory_space<vmem>>
      %dma_start3A_609 = tpu.memref_squeeze %dma_start3A_608 : memref<1x64x128xf32, #tpu.memory_space<vmem>> -> memref<64x128xf32, #tpu.memory_space<vmem>>
      %dma_start3A_610 = arith.constant 0 : i32
      %dma_start3A_611 = tpu.memref_slice %arg4[%add3A_591, %add3A_604, %dma_start3A_610] : memref<50x4096x128xf32, #tpu.memory_space<hbm>> -> memref<1x64x128xf32, #tpu.memory_space<hbm>>
      %dma_start3A_612 = tpu.memref_squeeze %dma_start3A_611 : memref<1x64x128xf32, #tpu.memory_space<hbm>> -> memref<64x128xf32, #tpu.memory_space<hbm>>
      %dma_start3A_613 = arith.constant 0 : i32
      %dma_start3A_614 = tpu.memref_slice %arg4[%add3A_591, %add3A_604, %dma_start3A_613] : memref<50x4096x128xf32, #tpu.memory_space<hbm>> -> memref<1x64x128xf32, #tpu.memory_space<hbm>>
      %dma_start3A_615 = tpu.memref_squeeze %dma_start3A_614 : memref<1x64x128xf32, #tpu.memory_space<hbm>> -> memref<64x128xf32, #tpu.memory_space<hbm>>
      %dma_start3A_616 = arith.constant 0 : i32
      %dma_start3A_617 = arith.constant 0 : i32
      %dma_start3A_618 = tpu.memref_slice %arg6[%dma_start3A_605, %dma_start3A_616, %dma_start3A_617] : memref<10x64x128xf32, #tpu.memory_space<vmem>> -> memref<1x64x128xf32, #tpu.memory_space<vmem>>
      %dma_start3A_619 = tpu.memref_squeeze %dma_start3A_618 : memref<1x64x128xf32, #tpu.memory_space<vmem>> -> memref<64x128xf32, #tpu.memory_space<vmem>>
      tpu.enqueue_dma source(%dma_start3A_619 : memref<64x128xf32, #tpu.memory_space<vmem>>) target(%dma_start3A_615 : memref<64x128xf32, #tpu.memory_space<hbm>>) target_semaphore(%arg24 : memref<!tpu.dma_semaphore, #tpu.memory_space<semaphore_mem>>)
      %mul3A_620 = arith.constant 5 : i32
      %mul3A_621 = arith.muli %scan3A_167, %mul3A_620 : i32
      %add3A_622 = arith.constant 4 : i32
      %add3A_623 = arith.addi %mul3A_621, %add3A_622 : i32
      %dma_wait3A_624 = arith.constant 8 : i32
      %dma_wait3A_625 = arith.constant 0 : i32
      %dma_wait3A_626 = arith.constant 0 : i32
      %dma_wait3A_627 = tpu.memref_slice %arg6[%dma_wait3A_624, %dma_wait3A_625, %dma_wait3A_626] : memref<10x64x128xf32, #tpu.memory_space<vmem>> -> memref<1x64x128xf32, #tpu.memory_space<vmem>>
      %dma_wait3A_628 = tpu.memref_squeeze %dma_wait3A_627 : memref<1x64x128xf32, #tpu.memory_space<vmem>> -> memref<64x128xf32, #tpu.memory_space<vmem>>
      %dma_wait3A_629 = arith.constant 0 : i32
      %dma_wait3A_630 = tpu.memref_slice %arg5[%add3A_332, %dma_wait3A_629] : memref<50x128xi32, #tpu.memory_space<vmem>> -> memref<1x64xi32, #tpu.memory_space<vmem>>
      %dma_wait3A_631 = tpu.memref_squeeze %dma_wait3A_630 : memref<1x64xi32, #tpu.memory_space<vmem>> -> memref<64xi32, #tpu.memory_space<vmem>>
      %dma_wait3A_632 = arith.constant 0 : i32
      %dma_wait3A_633 = arith.constant 0 : i32
      %dma_wait3A_634 = tpu.memref_slice %arg2[%dma_wait3A_632, %dma_wait3A_633] : memref<100000x128xf32, #tpu.memory_space<hbm>> -> memref<100000x128xf32, #tpu.memory_space<hbm>>
      tpu.wait_indirect_dma semaphore(%arg15 : memref<!tpu.dma_semaphore, #tpu.memory_space<semaphore_mem>>) src(%dma_wait3A_634 : memref<100000x128xf32, #tpu.memory_space<hbm>>) dst(%dma_wait3A_628 : memref<64x128xf32, #tpu.memory_space<vmem>>)
      %add3A_635 = arith.constant 0 : i32
      %add3A_636 = arith.addi %mul3A_2, %add3A_635 : i32
      %dma_start3A_637 = arith.constant 8 : i32
      %dma_start3A_638 = arith.constant 0 : i32
      %dma_start3A_639 = arith.constant 0 : i32
      %dma_start3A_640 = tpu.memref_slice %arg6[%dma_start3A_637, %dma_start3A_638, %dma_start3A_639] : memref<10x64x128xf32, #tpu.memory_space<vmem>> -> memref<1x64x128xf32, #tpu.memory_space<vmem>>
      %dma_start3A_641 = tpu.memref_squeeze %dma_start3A_640 : memref<1x64x128xf32, #tpu.memory_space<vmem>> -> memref<64x128xf32, #tpu.memory_space<vmem>>
      %dma_start3A_642 = arith.constant 0 : i32
      %dma_start3A_643 = tpu.memref_slice %arg4[%add3A_623, %add3A_636, %dma_start3A_642] : memref<50x4096x128xf32, #tpu.memory_space<hbm>> -> memref<1x64x128xf32, #tpu.memory_space<hbm>>
      %dma_start3A_644 = tpu.memref_squeeze %dma_start3A_643 : memref<1x64x128xf32, #tpu.memory_space<hbm>> -> memref<64x128xf32, #tpu.memory_space<hbm>>
      %dma_start3A_645 = arith.constant 0 : i32
      %dma_start3A_646 = tpu.memref_slice %arg4[%add3A_623, %add3A_636, %dma_start3A_645] : memref<50x4096x128xf32, #tpu.memory_space<hbm>> -> memref<1x64x128xf32, #tpu.memory_space<hbm>>
      %dma_start3A_647 = tpu.memref_squeeze %dma_start3A_646 : memref<1x64x128xf32, #tpu.memory_space<hbm>> -> memref<64x128xf32, #tpu.memory_space<hbm>>
      %dma_start3A_648 = arith.constant 0 : i32
      %dma_start3A_649 = arith.constant 0 : i32
      %dma_start3A_650 = tpu.memref_slice %arg6[%dma_start3A_637, %dma_start3A_648, %dma_start3A_649] : memref<10x64x128xf32, #tpu.memory_space<vmem>> -> memref<1x64x128xf32, #tpu.memory_space<vmem>>
      %dma_start3A_651 = tpu.memref_squeeze %dma_start3A_650 : memref<1x64x128xf32, #tpu.memory_space<vmem>> -> memref<64x128xf32, #tpu.memory_space<vmem>>
      tpu.enqueue_dma source(%dma_start3A_651 : memref<64x128xf32, #tpu.memory_space<vmem>>) target(%dma_start3A_647 : memref<64x128xf32, #tpu.memory_space<hbm>>) target_semaphore(%arg25 : memref<!tpu.dma_semaphore, #tpu.memory_space<semaphore_mem>>)
      %mul3A_652 = arith.constant 5 : i32
      %mul3A_653 = arith.muli %scan3A_167, %mul3A_652 : i32
      %add3A_654 = arith.constant 4 : i32
      %add3A_655 = arith.addi %mul3A_653, %add3A_654 : i32
      %dma_wait3A_656 = arith.constant 9 : i32
      %dma_wait3A_657 = arith.constant 0 : i32
      %dma_wait3A_658 = arith.constant 0 : i32
      %dma_wait3A_659 = tpu.memref_slice %arg6[%dma_wait3A_656, %dma_wait3A_657, %dma_wait3A_658] : memref<10x64x128xf32, #tpu.memory_space<vmem>> -> memref<1x64x128xf32, #tpu.memory_space<vmem>>
      %dma_wait3A_660 = tpu.memref_squeeze %dma_wait3A_659 : memref<1x64x128xf32, #tpu.memory_space<vmem>> -> memref<64x128xf32, #tpu.memory_space<vmem>>
      %dma_wait3A_661 = arith.constant 64 : i32
      %dma_wait3A_662 = tpu.memref_slice %arg5[%add3A_352, %dma_wait3A_661] : memref<50x128xi32, #tpu.memory_space<vmem>> -> memref<1x64xi32, #tpu.memory_space<vmem>>
      %dma_wait3A_663 = tpu.memref_squeeze %dma_wait3A_662 : memref<1x64xi32, #tpu.memory_space<vmem>> -> memref<64xi32, #tpu.memory_space<vmem>>
      %dma_wait3A_664 = arith.constant 0 : i32
      %dma_wait3A_665 = arith.constant 0 : i32
      %dma_wait3A_666 = tpu.memref_slice %arg2[%dma_wait3A_664, %dma_wait3A_665] : memref<100000x128xf32, #tpu.memory_space<hbm>> -> memref<100000x128xf32, #tpu.memory_space<hbm>>
      tpu.wait_indirect_dma semaphore(%arg16 : memref<!tpu.dma_semaphore, #tpu.memory_space<semaphore_mem>>) src(%dma_wait3A_666 : memref<100000x128xf32, #tpu.memory_space<hbm>>) dst(%dma_wait3A_660 : memref<64x128xf32, #tpu.memory_space<vmem>>)
      %add3A_667 = arith.constant 64 : i32
      %add3A_668 = arith.addi %mul3A_2, %add3A_667 : i32
      %dma_start3A_669 = arith.constant 9 : i32
      %dma_start3A_670 = arith.constant 0 : i32
      %dma_start3A_671 = arith.constant 0 : i32
      %dma_start3A_672 = tpu.memref_slice %arg6[%dma_start3A_669, %dma_start3A_670, %dma_start3A_671] : memref<10x64x128xf32, #tpu.memory_space<vmem>> -> memref<1x64x128xf32, #tpu.memory_space<vmem>>
      %dma_start3A_673 = tpu.memref_squeeze %dma_start3A_672 : memref<1x64x128xf32, #tpu.memory_space<vmem>> -> memref<64x128xf32, #tpu.memory_space<vmem>>
      %dma_start3A_674 = arith.constant 0 : i32
      %dma_start3A_675 = tpu.memref_slice %arg4[%add3A_655, %add3A_668, %dma_start3A_674] : memref<50x4096x128xf32, #tpu.memory_space<hbm>> -> memref<1x64x128xf32, #tpu.memory_space<hbm>>
      %dma_start3A_676 = tpu.memref_squeeze %dma_start3A_675 : memref<1x64x128xf32, #tpu.memory_space<hbm>> -> memref<64x128xf32, #tpu.memory_space<hbm>>
      %dma_start3A_677 = arith.constant 0 : i32
      %dma_start3A_678 = tpu.memref_slice %arg4[%add3A_655, %add3A_668, %dma_start3A_677] : memref<50x4096x128xf32, #tpu.memory_space<hbm>> -> memref<1x64x128xf32, #tpu.memory_space<hbm>>
      %dma_start3A_679 = tpu.memref_squeeze %dma_start3A_678 : memref<1x64x128xf32, #tpu.memory_space<hbm>> -> memref<64x128xf32, #tpu.memory_space<hbm>>
      %dma_start3A_680 = arith.constant 0 : i32
      %dma_start3A_681 = arith.constant 0 : i32
      %dma_start3A_682 = tpu.memref_slice %arg6[%dma_start3A_669, %dma_start3A_680, %dma_start3A_681] : memref<10x64x128xf32, #tpu.memory_space<vmem>> -> memref<1x64x128xf32, #tpu.memory_space<vmem>>
      %dma_start3A_683 = tpu.memref_squeeze %dma_start3A_682 : memref<1x64x128xf32, #tpu.memory_space<vmem>> -> memref<64x128xf32, #tpu.memory_space<vmem>>
      tpu.enqueue_dma source(%dma_start3A_683 : memref<64x128xf32, #tpu.memory_space<vmem>>) target(%dma_start3A_679 : memref<64x128xf32, #tpu.memory_space<hbm>>) target_semaphore(%arg26 : memref<!tpu.dma_semaphore, #tpu.memory_space<semaphore_mem>>)
    }
    %scan3A_7 = arith.constant 10 : i32
    %dma_wait3A = arith.constant 0 : i32
    %dma_wait3A_8 = arith.constant 0 : i32
    %dma_wait3A_9 = arith.constant 0 : i32
    %dma_wait3A_10 = arith.constant 0 : i32
    %dma_wait3A_11 = tpu.memref_slice %arg6[%dma_wait3A, %dma_wait3A_9, %dma_wait3A_10] : memref<10x64x128xf32, #tpu.memory_space<vmem>> -> memref<1x64x128xf32, #tpu.memory_space<vmem>>
    %dma_wait3A_12 = tpu.memref_squeeze %dma_wait3A_11 : memref<1x64x128xf32, #tpu.memory_space<vmem>> -> memref<64x128xf32, #tpu.memory_space<vmem>>
    %dma_wait3A_13 = arith.constant 0 : i32
    %dma_wait3A_14 = tpu.memref_slice %arg4[%dma_wait3A_8, %mul3A_2, %dma_wait3A_13] : memref<50x4096x128xf32, #tpu.memory_space<hbm>> -> memref<1x64x128xf32, #tpu.memory_space<hbm>>
    %dma_wait3A_15 = tpu.memref_squeeze %dma_wait3A_14 : memref<1x64x128xf32, #tpu.memory_space<hbm>> -> memref<64x128xf32, #tpu.memory_space<hbm>>
    %dma_wait3A_16 = arith.constant 0 : i32
    %dma_wait3A_17 = tpu.memref_slice %arg4[%dma_wait3A_8, %mul3A_2, %dma_wait3A_16] : memref<50x4096x128xf32, #tpu.memory_space<hbm>> -> memref<1x64x128xf32, #tpu.memory_space<hbm>>
    %dma_wait3A_18 = tpu.memref_squeeze %dma_wait3A_17 : memref<1x64x128xf32, #tpu.memory_space<hbm>> -> memref<64x128xf32, #tpu.memory_space<hbm>>
    %dma_wait3A_19 = arith.constant 0 : i32
    %dma_wait3A_20 = arith.constant 0 : i32
    %dma_wait3A_21 = tpu.memref_slice %arg6[%dma_wait3A, %dma_wait3A_19, %dma_wait3A_20] : memref<10x64x128xf32, #tpu.memory_space<vmem>> -> memref<1x64x128xf32, #tpu.memory_space<vmem>>
    %dma_wait3A_22 = tpu.memref_squeeze %dma_wait3A_21 : memref<1x64x128xf32, #tpu.memory_space<vmem>> -> memref<64x128xf32, #tpu.memory_space<vmem>>
    tpu.wait_dma2 semaphore(%arg17 : memref<!tpu.dma_semaphore, #tpu.memory_space<semaphore_mem>>) src(%dma_wait3A_22 : memref<64x128xf32, #tpu.memory_space<vmem>>) dst(%dma_wait3A_18 : memref<64x128xf32, #tpu.memory_space<hbm>>)
    %dma_wait3A_23 = arith.constant 1 : i32
    %dma_wait3A_24 = arith.constant 0 : i32
    %dma_wait3A_25 = arith.constant 0 : i32
    %dma_wait3A_26 = arith.constant 0 : i32
    %dma_wait3A_27 = tpu.memref_slice %arg6[%dma_wait3A_23, %dma_wait3A_25, %dma_wait3A_26] : memref<10x64x128xf32, #tpu.memory_space<vmem>> -> memref<1x64x128xf32, #tpu.memory_space<vmem>>
    %dma_wait3A_28 = tpu.memref_squeeze %dma_wait3A_27 : memref<1x64x128xf32, #tpu.memory_space<vmem>> -> memref<64x128xf32, #tpu.memory_space<vmem>>
    %dma_wait3A_29 = arith.constant 0 : i32
    %dma_wait3A_30 = tpu.memref_slice %arg4[%dma_wait3A_24, %mul3A_2, %dma_wait3A_29] : memref<50x4096x128xf32, #tpu.memory_space<hbm>> -> memref<1x64x128xf32, #tpu.memory_space<hbm>>
    %dma_wait3A_31 = tpu.memref_squeeze %dma_wait3A_30 : memref<1x64x128xf32, #tpu.memory_space<hbm>> -> memref<64x128xf32, #tpu.memory_space<hbm>>
    %dma_wait3A_32 = arith.constant 0 : i32
    %dma_wait3A_33 = tpu.memref_slice %arg4[%dma_wait3A_24, %mul3A_2, %dma_wait3A_32] : memref<50x4096x128xf32, #tpu.memory_space<hbm>> -> memref<1x64x128xf32, #tpu.memory_space<hbm>>
    %dma_wait3A_34 = tpu.memref_squeeze %dma_wait3A_33 : memref<1x64x128xf32, #tpu.memory_space<hbm>> -> memref<64x128xf32, #tpu.memory_space<hbm>>
    %dma_wait3A_35 = arith.constant 0 : i32
    %dma_wait3A_36 = arith.constant 0 : i32
    %dma_wait3A_37 = tpu.memref_slice %arg6[%dma_wait3A_23, %dma_wait3A_35, %dma_wait3A_36] : memref<10x64x128xf32, #tpu.memory_space<vmem>> -> memref<1x64x128xf32, #tpu.memory_space<vmem>>
    %dma_wait3A_38 = tpu.memref_squeeze %dma_wait3A_37 : memref<1x64x128xf32, #tpu.memory_space<vmem>> -> memref<64x128xf32, #tpu.memory_space<vmem>>
    tpu.wait_dma2 semaphore(%arg18 : memref<!tpu.dma_semaphore, #tpu.memory_space<semaphore_mem>>) src(%dma_wait3A_38 : memref<64x128xf32, #tpu.memory_space<vmem>>) dst(%dma_wait3A_34 : memref<64x128xf32, #tpu.memory_space<hbm>>)
    %dma_wait3A_39 = arith.constant 2 : i32
    %dma_wait3A_40 = arith.constant 0 : i32
    %dma_wait3A_41 = arith.constant 0 : i32
    %dma_wait3A_42 = arith.constant 0 : i32
    %dma_wait3A_43 = tpu.memref_slice %arg6[%dma_wait3A_39, %dma_wait3A_41, %dma_wait3A_42] : memref<10x64x128xf32, #tpu.memory_space<vmem>> -> memref<1x64x128xf32, #tpu.memory_space<vmem>>
    %dma_wait3A_44 = tpu.memref_squeeze %dma_wait3A_43 : memref<1x64x128xf32, #tpu.memory_space<vmem>> -> memref<64x128xf32, #tpu.memory_space<vmem>>
    %dma_wait3A_45 = arith.constant 0 : i32
    %dma_wait3A_46 = tpu.memref_slice %arg4[%dma_wait3A_40, %mul3A_2, %dma_wait3A_45] : memref<50x4096x128xf32, #tpu.memory_space<hbm>> -> memref<1x64x128xf32, #tpu.memory_space<hbm>>
    %dma_wait3A_47 = tpu.memref_squeeze %dma_wait3A_46 : memref<1x64x128xf32, #tpu.memory_space<hbm>> -> memref<64x128xf32, #tpu.memory_space<hbm>>
    %dma_wait3A_48 = arith.constant 0 : i32
    %dma_wait3A_49 = tpu.memref_slice %arg4[%dma_wait3A_40, %mul3A_2, %dma_wait3A_48] : memref<50x4096x128xf32, #tpu.memory_space<hbm>> -> memref<1x64x128xf32, #tpu.memory_space<hbm>>
    %dma_wait3A_50 = tpu.memref_squeeze %dma_wait3A_49 : memref<1x64x128xf32, #tpu.memory_space<hbm>> -> memref<64x128xf32, #tpu.memory_space<hbm>>
    %dma_wait3A_51 = arith.constant 0 : i32
    %dma_wait3A_52 = arith.constant 0 : i32
    %dma_wait3A_53 = tpu.memref_slice %arg6[%dma_wait3A_39, %dma_wait3A_51, %dma_wait3A_52] : memref<10x64x128xf32, #tpu.memory_space<vmem>> -> memref<1x64x128xf32, #tpu.memory_space<vmem>>
    %dma_wait3A_54 = tpu.memref_squeeze %dma_wait3A_53 : memref<1x64x128xf32, #tpu.memory_space<vmem>> -> memref<64x128xf32, #tpu.memory_space<vmem>>
    tpu.wait_dma2 semaphore(%arg19 : memref<!tpu.dma_semaphore, #tpu.memory_space<semaphore_mem>>) src(%dma_wait3A_54 : memref<64x128xf32, #tpu.memory_space<vmem>>) dst(%dma_wait3A_50 : memref<64x128xf32, #tpu.memory_space<hbm>>)
    %dma_wait3A_55 = arith.constant 3 : i32
    %dma_wait3A_56 = arith.constant 0 : i32
    %dma_wait3A_57 = arith.constant 0 : i32
    %dma_wait3A_58 = arith.constant 0 : i32
    %dma_wait3A_59 = tpu.memref_slice %arg6[%dma_wait3A_55, %dma_wait3A_57, %dma_wait3A_58] : memref<10x64x128xf32, #tpu.memory_space<vmem>> -> memref<1x64x128xf32, #tpu.memory_space<vmem>>
    %dma_wait3A_60 = tpu.memref_squeeze %dma_wait3A_59 : memref<1x64x128xf32, #tpu.memory_space<vmem>> -> memref<64x128xf32, #tpu.memory_space<vmem>>
    %dma_wait3A_61 = arith.constant 0 : i32
    %dma_wait3A_62 = tpu.memref_slice %arg4[%dma_wait3A_56, %mul3A_2, %dma_wait3A_61] : memref<50x4096x128xf32, #tpu.memory_space<hbm>> -> memref<1x64x128xf32, #tpu.memory_space<hbm>>
    %dma_wait3A_63 = tpu.memref_squeeze %dma_wait3A_62 : memref<1x64x128xf32, #tpu.memory_space<hbm>> -> memref<64x128xf32, #tpu.memory_space<hbm>>
    %dma_wait3A_64 = arith.constant 0 : i32
    %dma_wait3A_65 = tpu.memref_slice %arg4[%dma_wait3A_56, %mul3A_2, %dma_wait3A_64] : memref<50x4096x128xf32, #tpu.memory_space<hbm>> -> memref<1x64x128xf32, #tpu.memory_space<hbm>>
    %dma_wait3A_66 = tpu.memref_squeeze %dma_wait3A_65 : memref<1x64x128xf32, #tpu.memory_space<hbm>> -> memref<64x128xf32, #tpu.memory_space<hbm>>
    %dma_wait3A_67 = arith.constant 0 : i32
    %dma_wait3A_68 = arith.constant 0 : i32
    %dma_wait3A_69 = tpu.memref_slice %arg6[%dma_wait3A_55, %dma_wait3A_67, %dma_wait3A_68] : memref<10x64x128xf32, #tpu.memory_space<vmem>> -> memref<1x64x128xf32, #tpu.memory_space<vmem>>
    %dma_wait3A_70 = tpu.memref_squeeze %dma_wait3A_69 : memref<1x64x128xf32, #tpu.memory_space<vmem>> -> memref<64x128xf32, #tpu.memory_space<vmem>>
    tpu.wait_dma2 semaphore(%arg20 : memref<!tpu.dma_semaphore, #tpu.memory_space<semaphore_mem>>) src(%dma_wait3A_70 : memref<64x128xf32, #tpu.memory_space<vmem>>) dst(%dma_wait3A_66 : memref<64x128xf32, #tpu.memory_space<hbm>>)
    %dma_wait3A_71 = arith.constant 4 : i32
    %dma_wait3A_72 = arith.constant 0 : i32
    %dma_wait3A_73 = arith.constant 0 : i32
    %dma_wait3A_74 = arith.constant 0 : i32
    %dma_wait3A_75 = tpu.memref_slice %arg6[%dma_wait3A_71, %dma_wait3A_73, %dma_wait3A_74] : memref<10x64x128xf32, #tpu.memory_space<vmem>> -> memref<1x64x128xf32, #tpu.memory_space<vmem>>
    %dma_wait3A_76 = tpu.memref_squeeze %dma_wait3A_75 : memref<1x64x128xf32, #tpu.memory_space<vmem>> -> memref<64x128xf32, #tpu.memory_space<vmem>>
    %dma_wait3A_77 = arith.constant 0 : i32
    %dma_wait3A_78 = tpu.memref_slice %arg4[%dma_wait3A_72, %mul3A_2, %dma_wait3A_77] : memref<50x4096x128xf32, #tpu.memory_space<hbm>> -> memref<1x64x128xf32, #tpu.memory_space<hbm>>
    %dma_wait3A_79 = tpu.memref_squeeze %dma_wait3A_78 : memref<1x64x128xf32, #tpu.memory_space<hbm>> -> memref<64x128xf32, #tpu.memory_space<hbm>>
    %dma_wait3A_80 = arith.constant 0 : i32
    %dma_wait3A_81 = tpu.memref_slice %arg4[%dma_wait3A_72, %mul3A_2, %dma_wait3A_80] : memref<50x4096x128xf32, #tpu.memory_space<hbm>> -> memref<1x64x128xf32, #tpu.memory_space<hbm>>
    %dma_wait3A_82 = tpu.memref_squeeze %dma_wait3A_81 : memref<1x64x128xf32, #tpu.memory_space<hbm>> -> memref<64x128xf32, #tpu.memory_space<hbm>>
    %dma_wait3A_83 = arith.constant 0 : i32
    %dma_wait3A_84 = arith.constant 0 : i32
    %dma_wait3A_85 = tpu.memref_slice %arg6[%dma_wait3A_71, %dma_wait3A_83, %dma_wait3A_84] : memref<10x64x128xf32, #tpu.memory_space<vmem>> -> memref<1x64x128xf32, #tpu.memory_space<vmem>>
    %dma_wait3A_86 = tpu.memref_squeeze %dma_wait3A_85 : memref<1x64x128xf32, #tpu.memory_space<vmem>> -> memref<64x128xf32, #tpu.memory_space<vmem>>
    tpu.wait_dma2 semaphore(%arg21 : memref<!tpu.dma_semaphore, #tpu.memory_space<semaphore_mem>>) src(%dma_wait3A_86 : memref<64x128xf32, #tpu.memory_space<vmem>>) dst(%dma_wait3A_82 : memref<64x128xf32, #tpu.memory_space<hbm>>)
    %dma_wait3A_87 = arith.constant 5 : i32
    %dma_wait3A_88 = arith.constant 0 : i32
    %dma_wait3A_89 = arith.constant 0 : i32
    %dma_wait3A_90 = arith.constant 0 : i32
    %dma_wait3A_91 = tpu.memref_slice %arg6[%dma_wait3A_87, %dma_wait3A_89, %dma_wait3A_90] : memref<10x64x128xf32, #tpu.memory_space<vmem>> -> memref<1x64x128xf32, #tpu.memory_space<vmem>>
    %dma_wait3A_92 = tpu.memref_squeeze %dma_wait3A_91 : memref<1x64x128xf32, #tpu.memory_space<vmem>> -> memref<64x128xf32, #tpu.memory_space<vmem>>
    %dma_wait3A_93 = arith.constant 0 : i32
    %dma_wait3A_94 = tpu.memref_slice %arg4[%dma_wait3A_88, %mul3A_2, %dma_wait3A_93] : memref<50x4096x128xf32, #tpu.memory_space<hbm>> -> memref<1x64x128xf32, #tpu.memory_space<hbm>>
    %dma_wait3A_95 = tpu.memref_squeeze %dma_wait3A_94 : memref<1x64x128xf32, #tpu.memory_space<hbm>> -> memref<64x128xf32, #tpu.memory_space<hbm>>
    %dma_wait3A_96 = arith.constant 0 : i32
    %dma_wait3A_97 = tpu.memref_slice %arg4[%dma_wait3A_88, %mul3A_2, %dma_wait3A_96] : memref<50x4096x128xf32, #tpu.memory_space<hbm>> -> memref<1x64x128xf32, #tpu.memory_space<hbm>>
    %dma_wait3A_98 = tpu.memref_squeeze %dma_wait3A_97 : memref<1x64x128xf32, #tpu.memory_space<hbm>> -> memref<64x128xf32, #tpu.memory_space<hbm>>
    %dma_wait3A_99 = arith.constant 0 : i32
    %dma_wait3A_100 = arith.constant 0 : i32
    %dma_wait3A_101 = tpu.memref_slice %arg6[%dma_wait3A_87, %dma_wait3A_99, %dma_wait3A_100] : memref<10x64x128xf32, #tpu.memory_space<vmem>> -> memref<1x64x128xf32, #tpu.memory_space<vmem>>
    %dma_wait3A_102 = tpu.memref_squeeze %dma_wait3A_101 : memref<1x64x128xf32, #tpu.memory_space<vmem>> -> memref<64x128xf32, #tpu.memory_space<vmem>>
    tpu.wait_dma2 semaphore(%arg22 : memref<!tpu.dma_semaphore, #tpu.memory_space<semaphore_mem>>) src(%dma_wait3A_102 : memref<64x128xf32, #tpu.memory_space<vmem>>) dst(%dma_wait3A_98 : memref<64x128xf32, #tpu.memory_space<hbm>>)
    %dma_wait3A_103 = arith.constant 6 : i32
    %dma_wait3A_104 = arith.constant 0 : i32
    %dma_wait3A_105 = arith.constant 0 : i32
    %dma_wait3A_106 = arith.constant 0 : i32
    %dma_wait3A_107 = tpu.memref_slice %arg6[%dma_wait3A_103, %dma_wait3A_105, %dma_wait3A_106] : memref<10x64x128xf32, #tpu.memory_space<vmem>> -> memref<1x64x128xf32, #tpu.memory_space<vmem>>
    %dma_wait3A_108 = tpu.memref_squeeze %dma_wait3A_107 : memref<1x64x128xf32, #tpu.memory_space<vmem>> -> memref<64x128xf32, #tpu.memory_space<vmem>>
    %dma_wait3A_109 = arith.constant 0 : i32
    %dma_wait3A_110 = tpu.memref_slice %arg4[%dma_wait3A_104, %mul3A_2, %dma_wait3A_109] : memref<50x4096x128xf32, #tpu.memory_space<hbm>> -> memref<1x64x128xf32, #tpu.memory_space<hbm>>
    %dma_wait3A_111 = tpu.memref_squeeze %dma_wait3A_110 : memref<1x64x128xf32, #tpu.memory_space<hbm>> -> memref<64x128xf32, #tpu.memory_space<hbm>>
    %dma_wait3A_112 = arith.constant 0 : i32
    %dma_wait3A_113 = tpu.memref_slice %arg4[%dma_wait3A_104, %mul3A_2, %dma_wait3A_112] : memref<50x4096x128xf32, #tpu.memory_space<hbm>> -> memref<1x64x128xf32, #tpu.memory_space<hbm>>
    %dma_wait3A_114 = tpu.memref_squeeze %dma_wait3A_113 : memref<1x64x128xf32, #tpu.memory_space<hbm>> -> memref<64x128xf32, #tpu.memory_space<hbm>>
    %dma_wait3A_115 = arith.constant 0 : i32
    %dma_wait3A_116 = arith.constant 0 : i32
    %dma_wait3A_117 = tpu.memref_slice %arg6[%dma_wait3A_103, %dma_wait3A_115, %dma_wait3A_116] : memref<10x64x128xf32, #tpu.memory_space<vmem>> -> memref<1x64x128xf32, #tpu.memory_space<vmem>>
    %dma_wait3A_118 = tpu.memref_squeeze %dma_wait3A_117 : memref<1x64x128xf32, #tpu.memory_space<vmem>> -> memref<64x128xf32, #tpu.memory_space<vmem>>
    tpu.wait_dma2 semaphore(%arg23 : memref<!tpu.dma_semaphore, #tpu.memory_space<semaphore_mem>>) src(%dma_wait3A_118 : memref<64x128xf32, #tpu.memory_space<vmem>>) dst(%dma_wait3A_114 : memref<64x128xf32, #tpu.memory_space<hbm>>)
    %dma_wait3A_119 = arith.constant 7 : i32
    %dma_wait3A_120 = arith.constant 0 : i32
    %dma_wait3A_121 = arith.constant 0 : i32
    %dma_wait3A_122 = arith.constant 0 : i32
    %dma_wait3A_123 = tpu.memref_slice %arg6[%dma_wait3A_119, %dma_wait3A_121, %dma_wait3A_122] : memref<10x64x128xf32, #tpu.memory_space<vmem>> -> memref<1x64x128xf32, #tpu.memory_space<vmem>>
    %dma_wait3A_124 = tpu.memref_squeeze %dma_wait3A_123 : memref<1x64x128xf32, #tpu.memory_space<vmem>> -> memref<64x128xf32, #tpu.memory_space<vmem>>
    %dma_wait3A_125 = arith.constant 0 : i32
    %dma_wait3A_126 = tpu.memref_slice %arg4[%dma_wait3A_120, %mul3A_2, %dma_wait3A_125] : memref<50x4096x128xf32, #tpu.memory_space<hbm>> -> memref<1x64x128xf32, #tpu.memory_space<hbm>>
    %dma_wait3A_127 = tpu.memref_squeeze %dma_wait3A_126 : memref<1x64x128xf32, #tpu.memory_space<hbm>> -> memref<64x128xf32, #tpu.memory_space<hbm>>
    %dma_wait3A_128 = arith.constant 0 : i32
    %dma_wait3A_129 = tpu.memref_slice %arg4[%dma_wait3A_120, %mul3A_2, %dma_wait3A_128] : memref<50x4096x128xf32, #tpu.memory_space<hbm>> -> memref<1x64x128xf32, #tpu.memory_space<hbm>>
    %dma_wait3A_130 = tpu.memref_squeeze %dma_wait3A_129 : memref<1x64x128xf32, #tpu.memory_space<hbm>> -> memref<64x128xf32, #tpu.memory_space<hbm>>
    %dma_wait3A_131 = arith.constant 0 : i32
    %dma_wait3A_132 = arith.constant 0 : i32
    %dma_wait3A_133 = tpu.memref_slice %arg6[%dma_wait3A_119, %dma_wait3A_131, %dma_wait3A_132] : memref<10x64x128xf32, #tpu.memory_space<vmem>> -> memref<1x64x128xf32, #tpu.memory_space<vmem>>
    %dma_wait3A_134 = tpu.memref_squeeze %dma_wait3A_133 : memref<1x64x128xf32, #tpu.memory_space<vmem>> -> memref<64x128xf32, #tpu.memory_space<vmem>>
    tpu.wait_dma2 semaphore(%arg24 : memref<!tpu.dma_semaphore, #tpu.memory_space<semaphore_mem>>) src(%dma_wait3A_134 : memref<64x128xf32, #tpu.memory_space<vmem>>) dst(%dma_wait3A_130 : memref<64x128xf32, #tpu.memory_space<hbm>>)
    %dma_wait3A_135 = arith.constant 8 : i32
    %dma_wait3A_136 = arith.constant 0 : i32
    %dma_wait3A_137 = arith.constant 0 : i32
    %dma_wait3A_138 = arith.constant 0 : i32
    %dma_wait3A_139 = tpu.memref_slice %arg6[%dma_wait3A_135, %dma_wait3A_137, %dma_wait3A_138] : memref<10x64x128xf32, #tpu.memory_space<vmem>> -> memref<1x64x128xf32, #tpu.memory_space<vmem>>
    %dma_wait3A_140 = tpu.memref_squeeze %dma_wait3A_139 : memref<1x64x128xf32, #tpu.memory_space<vmem>> -> memref<64x128xf32, #tpu.memory_space<vmem>>
    %dma_wait3A_141 = arith.constant 0 : i32
    %dma_wait3A_142 = tpu.memref_slice %arg4[%dma_wait3A_136, %mul3A_2, %dma_wait3A_141] : memref<50x4096x128xf32, #tpu.memory_space<hbm>> -> memref<1x64x128xf32, #tpu.memory_space<hbm>>
    %dma_wait3A_143 = tpu.memref_squeeze %dma_wait3A_142 : memref<1x64x128xf32, #tpu.memory_space<hbm>> -> memref<64x128xf32, #tpu.memory_space<hbm>>
    %dma_wait3A_144 = arith.constant 0 : i32
    %dma_wait3A_145 = tpu.memref_slice %arg4[%dma_wait3A_136, %mul3A_2, %dma_wait3A_144] : memref<50x4096x128xf32, #tpu.memory_space<hbm>> -> memref<1x64x128xf32, #tpu.memory_space<hbm>>
    %dma_wait3A_146 = tpu.memref_squeeze %dma_wait3A_145 : memref<1x64x128xf32, #tpu.memory_space<hbm>> -> memref<64x128xf32, #tpu.memory_space<hbm>>
    %dma_wait3A_147 = arith.constant 0 : i32
    %dma_wait3A_148 = arith.constant 0 : i32
    %dma_wait3A_149 = tpu.memref_slice %arg6[%dma_wait3A_135, %dma_wait3A_147, %dma_wait3A_148] : memref<10x64x128xf32, #tpu.memory_space<vmem>> -> memref<1x64x128xf32, #tpu.memory_space<vmem>>
    %dma_wait3A_150 = tpu.memref_squeeze %dma_wait3A_149 : memref<1x64x128xf32, #tpu.memory_space<vmem>> -> memref<64x128xf32, #tpu.memory_space<vmem>>
    tpu.wait_dma2 semaphore(%arg25 : memref<!tpu.dma_semaphore, #tpu.memory_space<semaphore_mem>>) src(%dma_wait3A_150 : memref<64x128xf32, #tpu.memory_space<vmem>>) dst(%dma_wait3A_146 : memref<64x128xf32, #tpu.memory_space<hbm>>)
    %dma_wait3A_151 = arith.constant 9 : i32
    %dma_wait3A_152 = arith.constant 0 : i32
    %dma_wait3A_153 = arith.constant 0 : i32
    %dma_wait3A_154 = arith.constant 0 : i32
    %dma_wait3A_155 = tpu.memref_slice %arg6[%dma_wait3A_151, %dma_wait3A_153, %dma_wait3A_154] : memref<10x64x128xf32, #tpu.memory_space<vmem>> -> memref<1x64x128xf32, #tpu.memory_space<vmem>>
    %dma_wait3A_156 = tpu.memref_squeeze %dma_wait3A_155 : memref<1x64x128xf32, #tpu.memory_space<vmem>> -> memref<64x128xf32, #tpu.memory_space<vmem>>
    %dma_wait3A_157 = arith.constant 0 : i32
    %dma_wait3A_158 = tpu.memref_slice %arg4[%dma_wait3A_152, %mul3A_2, %dma_wait3A_157] : memref<50x4096x128xf32, #tpu.memory_space<hbm>> -> memref<1x64x128xf32, #tpu.memory_space<hbm>>
    %dma_wait3A_159 = tpu.memref_squeeze %dma_wait3A_158 : memref<1x64x128xf32, #tpu.memory_space<hbm>> -> memref<64x128xf32, #tpu.memory_space<hbm>>
    %dma_wait3A_160 = arith.constant 0 : i32
    %dma_wait3A_161 = tpu.memref_slice %arg4[%dma_wait3A_152, %mul3A_2, %dma_wait3A_160] : memref<50x4096x128xf32, #tpu.memory_space<hbm>> -> memref<1x64x128xf32, #tpu.memory_space<hbm>>
    %dma_wait3A_162 = tpu.memref_squeeze %dma_wait3A_161 : memref<1x64x128xf32, #tpu.memory_space<hbm>> -> memref<64x128xf32, #tpu.memory_space<hbm>>
    %dma_wait3A_163 = arith.constant 0 : i32
    %dma_wait3A_164 = arith.constant 0 : i32
    %dma_wait3A_165 = tpu.memref_slice %arg6[%dma_wait3A_151, %dma_wait3A_163, %dma_wait3A_164] : memref<10x64x128xf32, #tpu.memory_space<vmem>> -> memref<1x64x128xf32, #tpu.memory_space<vmem>>
    %dma_wait3A_166 = tpu.memref_squeeze %dma_wait3A_165 : memref<1x64x128xf32, #tpu.memory_space<vmem>> -> memref<64x128xf32, #tpu.memory_space<vmem>>
    tpu.wait_dma2 semaphore(%arg26 : memref<!tpu.dma_semaphore, #tpu.memory_space<semaphore_mem>>) src(%dma_wait3A_166 : memref<64x128xf32, #tpu.memory_space<vmem>>) dst(%dma_wait3A_162 : memref<64x128xf32, #tpu.memory_space<hbm>>)
    return
  }
}

</mosaic_0001>

<sc_bundles>
// kernel: kernel.3.cloned.1.call-start
scs
__scs_entry_jumppad:
0x0: {  	(pc) =	sbr.rel $0x88, $3  }
0x1: {  	(tag) =	ssettag $0x0;
	lr =	simm.s32 $0x1  }
0x2: {  	[smem:$0x3F9F] =	sst lr;
	_ =	strace $0xD0000000  }
0x3: {  	_ = 	snop  }
0x4: {  	_ = 	snop  }
0x5: {  	_ = 	snop  }
0x6: {  	_ = 	snop  }
0x7: {  	_ = 	snop  }
__scs_overlays_trampoline_lowered:
0x8: {  	[smem:$0x3FAE] =	sst s0  }
0x9: {  	[smem:$0x3FAF] =	sst s1  }
0xa: {  	[smem:$0x3FB0] =	sst s2  }
0xb: {  	[smem:$0x3FB1] =	sst s3  }
0xc: {  	[smem:$0x3FB2] =	sst s4  }
0xd: {  	[smem:$0x3FB3] =	sst s5  }
0xe: {  	[smem:$0x3FB4] =	sst s6  }
0xf: {  	[smem:$0x3FB5] =	sst s7  }
0x10: {  	[smem:$0x3FB6] =	sst s8  }
0x11: {  	[smem:$0x3FB7] =	sst s9;
	s0 =	simm.s32 @!p0 $0x0  }
0x12: {  	s1 =	sld [smem:$0x3F9D];
	s0 =	simm.s32 @p0 $0x1  }
0x13: {  	[smem:$0x3FB8] =	sst s0;
	s0 =	simm.s32 @!p1 $0x0  }
0x14: {  	s2 =	sld [smem:$0x3F9C];
	s0 =	simm.s32 @p1 $0x1  }
0x15: {  	[smem:$0x3FB9] =	sst s0;
	s0 =	simm.s32 @!p2 $0x0  }
0x16: {  	s3 =	sld [smem:$0x3FDB];
	s0 =	simm.s32 @p2 $0x1  }
0x17: {  	s4 =	simm.s32 $0x1BF5;
	[smem:$0x3FBB] =	sst s0  }
0x18: {  	s0 =	sld [smem:$0x3F9E];
	_ =	swait.ge [sflag:s4], $0x0  }
0x19: {  	s7 =	sld [smem:$0x3F9F]  }
0x1a: {  	s8 =	sadd.s32 $0xFFFFE003, lr  }
0x1b: {  	s9 =	sadd.s32 $0xFFFFFEF7, lr;
	s5 =	simm.s32 $0xFFFFFFFF;
	p2 =	slt.u32 s8, $0xFFFFF086  }
0x1c: {  	p1 =	slt.u32 s9, $0xF7A;
	s5 =	simm.s32 @!p2 $0x0  }
0x1d: {  	s5 =	simm.s32 @p1 $0x1;
	p0 =	seq.s32 s7, s2  }
0x1e: {  	s7 =	smul.u32 @!p0 $0xF7A, s2;
	p2 =	seq.s32 @!p0 s5, $0x0  }
0x1f: {  	s9 =	smul.u32 $0xF7A, s1;
	s8 =	simm.s32 @!p0 $0x1BF5;
	p2 =	por !p2, p0  }
0x20: {  	[sflag:s8] =	ssyncset.s32 @!p0 $0xFFFFF086;
	s6 =	sadd.s32 @!p0 s3, s7;
	s7 =	simm.s32 @!p0 $0x108  }
0x21: {  	s3 =	sadd.s32 s3, s9;
	s6 =	sadd.s32 @!p0 $0x88, s6;
	s7 =	simm.s32 @p2 $0x1082  }
0x22: {  	[simem:s7], [sflag:s8] =	dma.local @!p0 [hbm:s6], $0xF7A  }
0x23: {  	s9 =	sor.u32 $0xD0000000, s2;
	s6 =	simm.s32 $0x108;
	_ =	swait.ge @!p0 [sflag:s8], $0x0  }
0x24: {  	s3 =	sadd.s32 $0x88, s3;
	s6 =	simm.s32 @!p1 $0x1082;
	[sflag:s4] =	ssyncset.s32 $0xFFFFF086  }
0x25: {  	[simem:s6], [sflag:s4] =	dma.local [hbm:s3], $0xF7A  }
0x26: {  	[smem:$0x3F9F] =	sst s1;
	(tag) =	ssettag s2;
	_ =	strace s9  }
0x27: {  	s1 =	sld [smem:$0x3FAF]  }
0x28: {  	s2 =	sld [smem:$0x3FB0]  }
0x29: {  	s4 =	sld [smem:$0x3FB2]  }
0x2a: {  	p0 =	seq.s32 s5, $0x0;
	s5 =	sld [smem:$0x3FB3]  }
0x2b: {  	s6 =	sld [smem:$0x3FB4]  }
0x2c: {  	s7 =	sld [smem:$0x3FB5]  }
0x2d: {  	s3 =	simm.s32 $0x108;
	s8 =	sld [smem:$0x3FB6]  }
0x2e: {  	s3 =	simm.s32 @!p0 $0x1082;
	s9 =	sld [smem:$0x3FB7]  }
0x2f: {  	lr =	sadd.s32 s0, s3;
	s0 =	sld [smem:$0x3FAE]  }
0x30: {  	s3 =	sld [smem:$0x3FB1]  }
0x31: {  	[smem:$0x3FBA] =	sst s10  }
0x32: {  	s10 =	sld [smem:$0x3FB8];
	_ =	sdelay $0x3  }
0x33: {  	p0 =	seq.s32 s10, $0x1;
	s10 =	sld [smem:$0x3FBA];
	_ =	sdelay $0x3  }
0x34: {  	[smem:$0x3FBA] =	sst s10  }
0x35: {  	s10 =	sld [smem:$0x3FB9];
	_ =	sdelay $0x3  }
0x36: {  	p1 =	seq.s32 s10, $0x1;
	s10 =	sld [smem:$0x3FBA];
	_ =	sdelay $0x3  }
0x37: {  	[smem:$0x3FBA] =	sst s10  }
0x38: {  	s10 =	sld [smem:$0x3FBB]  }
0x39: {  	_ = 	snop;
	(pc) =	sbr.ind lr, $3  }
0x3a: {  	_ = 	snop  }
0x3b: {  	_ = 	snop  }
0x3c: {  	p2 =	seq.s32 s10, $0x1;
	s10 =	sld [smem:$0x3FBA]  }
0x3d: {  	_ =	shalt  }
0x3e: {  	_ =	shalt  }
0x3f: {  	_ =	shalt  }
0x40: {  	_ =	shalt  }
0x41: {  	_ =	shalt  }
0x42: {  	_ =	shalt  }
0x43: {  	_ =	shalt  }
0x44: {  	_ =	shalt  }
0x45: {  	_ =	shalt  }
0x46: {  	_ =	shalt  }
0x47: {  	_ =	shalt  }
0x48: {  	_ =	shalt  }
0x49: {  	_ =	shalt  }
0x4a: {  	_ =	shalt  }
0x4b: {  	_ =	shalt  }
0x4c: {  	_ =	shalt  }
0x4d: {  	_ =	shalt  }
0x4e: {  	_ =	shalt  }
0x4f: {  	_ =	shalt  }
0x50: {  	_ =	shalt  }
0x51: {  	_ =	shalt  }
0x52: {  	_ =	shalt  }
0x53: {  	_ =	shalt  }
0x54: {  	_ =	shalt  }
0x55: {  	_ =	shalt  }
0x56: {  	_ =	shalt  }
0x57: {  	_ =	shalt  }
0x58: {  	_ =	shalt  }
0x59: {  	_ =	shalt  }
0x5a: {  	_ =	shalt  }
0x5b: {  	_ =	shalt  }
0x5c: {  	_ =	shalt  }
0x5d: {  	_ =	shalt  }
0x5e: {  	_ =	shalt  }
0x5f: {  	_ =	shalt  }
0x60: {  	_ =	shalt  }
0x61: {  	_ =	shalt  }
0x62: {  	_ =	shalt  }
0x63: {  	_ =	shalt  }
0x64: {  	_ =	shalt  }
0x65: {  	_ =	shalt  }
0x66: {  	_ =	shalt  }
0x67: {  	_ =	shalt  }
0x68: {  	_ =	shalt  }
0x69: {  	_ =	shalt  }
0x6a: {  	_ =	shalt  }
0x6b: {  	_ =	shalt  }
0x6c: {  	_ =	shalt  }
0x6d: {  	_ =	shalt  }
0x6e: {  	_ =	shalt  }
0x6f: {  	_ =	shalt  }
0x70: {  	_ =	shalt  }
0x71: {  	_ =	shalt  }
0x72: {  	_ =	shalt  }
0x73: {  	_ =	shalt  }
0x74: {  	_ =	shalt  }
0x75: {  	_ =	shalt  }
0x76: {  	_ =	shalt  }
0x77: {  	_ =	shalt  }
0x78: {  	_ =	shalt  }
0x79: {  	_ =	shalt  }
0x7a: {  	_ =	shalt  }
0x7b: {  	_ =	shalt  }
0x7c: {  	_ =	shalt  }
0x7d: {  	_ =	shalt  }
0x7e: {  	_ =	shalt  }
0x7f: {  	_ =	shalt  }
0x80: {  	_ =	shalt  }
0x81: {  	_ =	shalt  }
0x82: {  	_ =	shalt  }
0x83: {  	_ =	shalt  }
0x84: {  	_ =	shalt  }
0x85: {  	_ =	shalt  }
0x86: {  	_ =	shalt  }
0x87: {  	_ =	shalt  }
.Lfunc_end0:
.L_simem_size_0:
called_computation_lowered:
.L_overlay_start_0:
0x88: {  	s2 =	sld [smem:$0x3FD9]  }
0x89: {  	s3 =	sld [smem:$0x3FFE];
	_ =	sdelay $0x1  }
0x8a: {  	s1 =	srdreg.scid  }
0x8b: {  	s0 =	sand.u32 $0x1, s1  }
0x8c: {  	s17 =	sshll.u32 s0, $0xA;
	s2 =	sadd.s32 s3, s2  }
0x8d: {  	s2 =	sadd.s32 s2, s17  }
0x8e: {  	[smem:$0x3FC6] =	sst s2  }
0x8f: {  	_ = 	snop  }
0x90: {  	s2 =	sld [smem:$0x3FC8]  }
0x91: {  	s18 =	sld [smem:$0x3FD0];
	(tm) =	ssettm $0x1  }
0x92: {  	s4 =	sld [smem:$0x3FFB];
	_ =	sdelay $0x3  }
0x93: {  	_ =	strace s4  }
0x94: {  	s4 =	sld [smem:$0x3FFC];
	_ =	sdelay $0x3  }
0x95: {  	_ =	strace s4  }
0x96: {  	s4 =	sld [smem:$0x3FFD];
	_ =	sdelay $0x3  }
0x97: {  	_ =	strace s4  }
0x98: {  	_ =	strace $0x8FFFFFFF  }
0x99: {  	s19 =	sld [smem:$0x3FDB];
	_ =	sdelay $0x1  }
0x9a: {  	s5 =	simm.s32 $_scs_section_size  }
0x9b: {  	s6 =	simm.s32 $_size__tile_overlayer_lowered;
	s7 =	simm.s32 $_tile_overlayer_lowered  }
0x9c: {  	s22 =	simm.s32 $0x1BFF;
	s21 =	sshll.u32 s7, $0x1;
	s4 =	sadd.s32 s5, s19  }
0x9d: {  	s8 =	simm.s32 $0x0;
	s20 =	sshll.u32 s6, $0x1;
	s6 =	sadd.s32 s21, s4  }
0x9e: {  	[timem:s8], [sflag:s22] =	dma.local [hbm:s6], s20  }
0x9f: {  	_ =	swait.ge [sflag:s22], s20  }
0xa0: {  	s5 =	ssub.s32 $0x0, s20;
	[sflag:s22] =	ssyncset.done $0x0  }
0xa1: {  	[sflag:s22] =	ssyncadd.s32 s5;
	_ =	sdelay $0x1  }
0xa2: {  	s23 =	simm.s32 $0x1B8B  }
0xa3: {  	_ =	swait.ge [sflag:s23], $0x1  }
0xa4: {  	[sflag:s23] =	ssyncset.done $0x0  }
0xa5: {  	s25 =	simm.s32 $0x1B8E;
	s24 =	sld [smem:$0x3FFE];
	[sflag:s23] =	ssyncadd.s32 $0xFFFFFFFF  }
0xa6: {  	s26 =	simm.s32 $execute0_lowered;
	[smem:$0x3FD2] =	sst s25  }
0xa7: {  	s6 =	sshll.u32 s26, $0x1;
	_ =	strace $0x80000046;
	[dreg:$0x1] =	wrdreg $0xFFFFFFFF  }
0xa8: {  	s28 =	simm.s32 $_size_execute0_lowered;
	s4 =	sadd.s32 s4, s6;
	[dreg:$0x0] =	wrdreg $0x0  }
0xa9: {  	s6 =	sshll.u32 s28, $0x1;
	[dreg:$0x2] =	wrdreg s4  }
0xaa: {  	[dreg:$0x3] =	wrdreg s6  }
0xab: {  	[dreg:$0x4] =	wrdreg $0xC0  }
0xac: {  	_ =	task [dreg:s8], $0x5FFFF  }
0xad: {  	[dreg:$0x1] =	wrdreg $0xFFFFFFFF  }
0xae: {  	[dreg:$0x0] =	wrdreg $0x60  }
0xaf: {  	[dreg:$0x2] =	wrdreg s2  }
0xb0: {  	[dreg:$0x3] =	wrdreg s24  }
0xb1: {  	[dreg:$0x4] =	wrdreg s18  }
0xb2: {  	[dreg:$0x5] =	wrdreg $0x9  }
0xb3: {  	_ =	task.clear_ibuf [dreg:s8], $0x6FFFF;
	_ =	strace $0x90000046  }
0xb4: {  	s29 =	simm.s32 $0x9;
	_ =	strace $0x80000048  }
0xb5: {  	_ =	swait.ge [sflag:s29], $0x1  }
0xb6: {  	[sflag:s29] =	ssyncadd.s32 $0xFFFFFFFF  }
0xb7: {  	_ =	strace $0x90000048  }
0xb8: {  	_ =	sfence  }
0xb9: {  	s30 =	sld [smem:$0x0];
	_ =	sdelay $0x2  }
0xba: {  	s31 =	sshll.u32 s1, $0xD;
	s1 =	sshrl.u32 s1, $0x2  }
0xbb: {  	s3 =	sand.u32 $0x4000, s31;
	s1 =	sadd.s32 s1, s30  }
0xbc: {  	s0 =	sor.u32 s3, s0;
	s1 =	sshll.u32 s1, $0x11  }
0xbd: {  	s0 =	sor.u32 s1, s0  }
0xbe: {  	s0 =	sadd.s32 $0x8F2B, s0  }
0xbf: {  	[sflag:s0] =	ssyncadd.remote.s32 $0x1  }
0xc0: {  	_ =	sfence.sel $0xFFFF  }
0xc1: {  	[dreg:$0x0] =	wrdreg $0xFFFFFFFF;
	(pc) =	sbr.abs _section_cstart, $3  }
0xc2: {  	[dreg:$0x1] =	wrdreg $0xFFFFFFFF  }
0xc3: {  	_ =	task.clear_ibuf [dreg:s8], $0x2FFFF;
	_ =	strace $0x9FFFFFFF  }
0xc4: {  	(tm) =	ssettm $0x7FFFFFFF  }
0xc5: {  	_ =	shalt  }
tec
execute0_lowered:
.L_overlay_start_1:
0x0: {  	(tag) =	ssettag $0x1  }
0x1: {  	s1 =	rddreg [dreg:$0x0]  }
0x2: {  	s0 =	srdreg.scid;
	s2 =	rddreg [dreg:$0x1]  }
0x3: {  	s8 =	stileid.u32;
	s3 =	rddreg [dreg:$0x2];
	s12 =	simm.s32 $0x40  }
0x4: {  	s16 =	simm.s32 $0x1C00;
	s20 =	simm.s32 $0x3C00;
	s21 =	simm.s32 $0x5C00  }
0x5: {  	s22 =	simm.s32 $0x7C00;
	s24 =	simm.s32 $0x9C00;
	s28 =	simm.s32 $0xDC00  }
0x6: {  	s29 =	simm.s32 $0xFC00;
	s30 =	simm.s32 $0x11C00;
	s9 =	simm.s32 $0x6  }
0x7: {  	s10 =	simm.s32 $0x7;
	s11 =	simm.s32 $0x8;
	s15 =	simm.s32 $0x9  }
0x8: {  	s17 =	simm.s32 $0xA;
	s0 =	sand.u32 $0x1, s0;
	s4 =	sshll.u32 s8, $0x1  }
0x9: {  	s8 =	sshll.u32 s8, $0xF;
	s5 =	sor.u32 s0, s4;
	s4 =	simm.s32 $0x0  }
0xa: {  	s26 =	ssub.s32 $0x2, s0;
	s0 =	sshll.u32 s0, $0xE;
	s6 =	smul.u32 $0x380, s5  }
0xb: {  	[smem:$0x7FF] =	sst s4;
	s7 =	sshrl.u32 s26, $0x1;
	s5 =	sshll.u32 s5, $0xE  }
0xc: {  	s0 =	sor.u32 s0, s8;
	s8 =	simm.s32 $0x5;
	_ =	strace $0x80000047  }
0xd: {  	s31 =	sor.u32 $0x2000, s0;
	s0 =	sshrl.u32 s0, $0x3;
	s2 =	sadd.s32 s6, s2  }
.Ltmp0:
0xe: {  	s6 =	ssub.s32 s26, s7;
	s0 =	sadd.s32 s0, s3;
	(pc) =	sbr.rel .LBB2_1-.Ltmp0, $4  }
0xf: {  	s7 =	sor.u32 $0x2000, s5;
	s2 =	sadd.s32 $0x400, s2;
	[dreg:$0x7] =	wrdreg s0  }
0x10: {  	s6 =	smax.u32 s6, $0x1;
	[dreg:$0x4] =	wrdreg s2;
	s2 =	sshrl.u32 s31, $0x3  }
0x11: {  	s26 =	simm.s32 $0xBC00;
	[dreg:$0x5] =	wrdreg s6;
	s2 =	sadd.s32 s2, s3  }
0x12: {  	s6 =	simm.s32 $0x13C00;
	[dreg:$0x6] =	wrdreg s2;
	s2 =	simm.s32 $0x0  }
.LBB2_6:
0x13: {  	s0 =	simm.s32 $0xB  }
0x14: {  	_ =	swait.ge [sflag:s0], $0x2000  }
0x15: {  	[sflag:s0] =	ssyncset.done $0x0  }
0x16: {  	s31 =	simm.s32 $0xC;
	[sflag:s0] =	ssyncadd.s32 $0xFFFFE000  }
0x17: {  	_ =	swait.ge [sflag:s31], $0x2000  }
0x18: {  	[sflag:s31] =	ssyncset.done $0x0  }
0x19: {  	s2 =	simm.s32 $0xD;
	[sflag:s31] =	ssyncadd.s32 $0xFFFFE000  }
0x1a: {  	_ =	swait.ge [sflag:s2], $0x2000  }
0x1b: {  	[sflag:s2] =	ssyncset.done $0x0  }
0x1c: {  	s13 =	simm.s32 $0xE;
	[sflag:s2] =	ssyncadd.s32 $0xFFFFE000  }
0x1d: {  	_ =	swait.ge [sflag:s13], $0x2000  }
0x1e: {  	[sflag:s13] =	ssyncset.done $0x0  }
0x1f: {  	s14 =	simm.s32 $0xF;
	[sflag:s13] =	ssyncadd.s32 $0xFFFFE000  }
0x20: {  	_ =	swait.ge [sflag:s14], $0x2000  }
0x21: {  	[sflag:s14] =	ssyncset.done $0x0  }
0x22: {  	s18 =	simm.s32 $0x10;
	[sflag:s14] =	ssyncadd.s32 $0xFFFFE000  }
0x23: {  	_ =	swait.ge [sflag:s18], $0x2000  }
0x24: {  	[sflag:s18] =	ssyncset.done $0x0  }
0x25: {  	s19 =	simm.s32 $0x11;
	[sflag:s18] =	ssyncadd.s32 $0xFFFFE000  }
0x26: {  	_ =	swait.ge [sflag:s19], $0x2000  }
0x27: {  	[sflag:s19] =	ssyncset.done $0x0  }
0x28: {  	s23 =	simm.s32 $0x12;
	[sflag:s19] =	ssyncadd.s32 $0xFFFFE000  }
0x29: {  	_ =	swait.ge [sflag:s23], $0x2000  }
0x2a: {  	[sflag:s23] =	ssyncset.done $0x0  }
0x2b: {  	s25 =	simm.s32 $0x13;
	[sflag:s23] =	ssyncadd.s32 $0xFFFFE000  }
0x2c: {  	_ =	swait.ge [sflag:s25], $0x2000  }
0x2d: {  	[sflag:s25] =	ssyncset.done $0x0  }
0x2e: {  	s31 =	simm.s32 $0x14;
	[sflag:s25] =	ssyncadd.s32 $0xFFFFE000  }
0x2f: {  	_ =	swait.ge [sflag:s31], $0x2000  }
0x30: {  	s2 =	rddreg [dreg:$0x8]  }
0x31: {  	s13 =	rddreg [dreg:$0x5];
	s2 =	sadd.s32 $0x1, s2  }
0x32: {  	p0 =	sne.s32 s2, s13  }
.Ltmp1:
0x33: {  	_ = 	snop;
	(pc) =	sbr.rel @!p0 .LBB2_7-.Ltmp1, $3  }
0x34: {  	_ =	sdelay $0x1  }
0x35: {  	[sflag:s31] =	ssyncset.done $0x0  }
0x36: {  	[sflag:s31] =	ssyncadd.s32 $0xFFFFE000  }
.LBB2_1:
0x37: {  	[dreg:$0x8] =	wrdreg s2  }
.Ltmp2:
0x38: {  	s13 =	rddreg [dreg:$0x4];
	s31 =	simm.s32 $0x15;
	(pc) =	sbr.rel .LBB2_2-.Ltmp2, $4  }
0x39: {  	[tilespmem:s4], [sflag:$0x15] =	stream.linear.gather [hbm4b:s13+s4], $0x1900, $0x38;
	[tilespmem:$0x15C00] =	vst v63  }
0x3a: {  	_ =	swait.ge [sflag:s31], $0x1900  }
0x3b: {  	s19 =	simm.s32 $0x200000;
	[sflag:s31] =	ssyncset.done $0x0;
	s23 =	rddreg [dreg:$0x7]  }
0x3c: {  	s18 =	simm.s32 $0x800;
	s25 =	rddreg [dreg:$0x6];
	[sflag:s31] =	ssyncadd.s32 $0xFFFFE700  }
.LBB2_4:
0x3d: {  	s0 =	simm.s32 $0xB  }
0x3e: {  	_ =	swait.ge [sflag:s0], $0x2000  }
0x3f: {  	s13 =	sshra.s32 s18, $0x2;
	[sflag:s0] =	ssyncset.done $0x0  }
0x40: {  	s14 =	sadd.s32 $0xFFFFFE00, s13;
	[sflag:s0] =	ssyncadd.s32 $0xFFFFE000  }
0x41: {  	[tilespmem:s16], [sflag:$0x1] =	stream.indirect.gather [hbm4b:s1+s12], $0x80, s14, s12, $0xb8;
	[tilespmem:$0x15C00] =	vst v63  }
0x42: {  	s14 =	simm.s32 $0xC  }
0x43: {  	_ =	swait.ge [sflag:s14], $0x2000  }
0x44: {  	[sflag:s14] =	ssyncset.done $0x0  }
0x45: {  	s16 =	sadd.s32 $0xFFFFFE40, s13;
	[sflag:s14] =	ssyncadd.s32 $0xFFFFE000  }
0x46: {  	[tilespmem:s20], [sflag:$0x2] =	stream.indirect.gather [hbm4b:s1+s12], $0x80, s16, s12, $0xb8;
	[tilespmem:$0x15C00] =	vst v63  }
0x47: {  	s20 =	simm.s32 $0xD  }
0x48: {  	_ =	swait.ge [sflag:s20], $0x2000  }
0x49: {  	[sflag:s20] =	ssyncset.done $0x0  }
0x4a: {  	s2 =	sadd.s32 $0xFFFFFE80, s13;
	s16 =	simm.s32 $0xE;
	[sflag:s20] =	ssyncadd.s32 $0xFFFFE000  }
0x4b: {  	[tilespmem:s21], [sflag:$0x3] =	stream.indirect.gather [hbm4b:s1+s12], $0x80, s2, s12, $0xb8;
	[tilespmem:$0x15C00] =	vst v63  }
0x4c: {  	_ =	swait.ge [sflag:s16], $0x2000  }
0x4d: {  	[sflag:s16] =	ssyncset.done $0x0  }
0x4e: {  	s20 =	sadd.s32 $0xFFFFFEC0, s13;
	s21 =	simm.s32 $0xF;
	[sflag:s16] =	ssyncadd.s32 $0xFFFFE000  }
0x4f: {  	[tilespmem:s22], [sflag:$0x4] =	stream.indirect.gather [hbm4b:s1+s12], $0x80, s20, s12, $0xb8;
	[tilespmem:$0x15C00] =	vst v63  }
0x50: {  	_ =	swait.ge [sflag:s21], $0x2000  }
0x51: {  	[sflag:s21] =	ssyncset.done $0x0  }
0x52: {  	s22 =	sadd.s32 $0xFFFFFF00, s13;
	[sflag:s21] =	ssyncadd.s32 $0xFFFFE000  }
0x53: {  	[tilespmem:s24], [sflag:$0x5] =	stream.indirect.gather [hbm4b:s1+s12], $0x80, s22, s12, $0xb8;
	[tilespmem:$0x15C00] =	vst v63  }
0x54: {  	s24 =	simm.s32 $0x10  }
0x55: {  	_ =	swait.ge [sflag:s24], $0x2000  }
0x56: {  	[sflag:s24] =	ssyncset.done $0x0  }
0x57: {  	s2 =	sadd.s32 $0xFFFFFF40, s13;
	s16 =	simm.s32 $0x11;
	[sflag:s24] =	ssyncadd.s32 $0xFFFFE000  }
0x58: {  	[tilespmem:s26], [sflag:$0x6] =	stream.indirect.gather [hbm4b:s1+s12], $0x80, s2, s12, $0xb8;
	[tilespmem:$0x15C00] =	vst v63  }
0x59: {  	_ =	swait.ge [sflag:s16], $0x2000  }
0x5a: {  	[sflag:s16] =	ssyncset.done $0x0  }
0x5b: {  	s20 =	sadd.s32 $0xFFFFFF80, s13;
	s21 =	simm.s32 $0x12;
	[sflag:s16] =	ssyncadd.s32 $0xFFFFE000  }
0x5c: {  	[tilespmem:s28], [sflag:$0x7] =	stream.indirect.gather [hbm4b:s1+s12], $0x80, s20, s12, $0xb8;
	[tilespmem:$0x15C00] =	vst v63  }
0x5d: {  	s31 =	simm.s32 $0xDC00;
	_ =	swait.ge [sflag:s21], $0x2000  }
0x5e: {  	s0 =	simm.s32 $0x11C00;
	s14 =	sadd.s32 $0xFFF00000, s19;
	[sflag:s21] =	ssyncset.done $0x0  }
0x5f: {  	s22 =	sadd.s32 $0xFFFFFFC0, s13;
	s24 =	simm.s32 $0x13;
	[sflag:s21] =	ssyncadd.s32 $0xFFFFE000  }
0x60: {  	[tilespmem:s29], [sflag:$0x8] =	stream.indirect.gather [hbm4b:s1+s12], $0x80, s22, s12, $0xb8;
	[tilespmem:$0x15C00] =	vst v63  }
0x61: {  	s26 =	simm.s32 $0x14;
	s2 =	simm.s32 $0xFC00;
	_ =	swait.ge [sflag:s24], $0x2000  }
0x62: {  	s16 =	sadd.s32 $0xFFE80000, s19;
	s20 =	simm.s32 $0x1C00;
	[sflag:s24] =	ssyncset.done $0x0  }
0x63: {  	s28 =	smov.u32 s19;
	s21 =	smov.u32 s18;
	[sflag:s24] =	ssyncadd.s32 $0xFFFFE000  }
0x64: {  	[tilespmem:s30], [sflag:$0x9] =	stream.indirect.gather [hbm4b:s1+s12], $0x80, s13, s12, $0xb8;
	[tilespmem:$0x15C00] =	vst v63  }
0x65: {  	s22 =	simm.s32 $0x3C00;
	s29 =	simm.s32 $0x9C00;
	_ =	swait.ge [sflag:s26], $0x2000  }
0x66: {  	s24 =	simm.s32 $0x5C00;
	s30 =	simm.s32 $0xBC00;
	[sflag:s26] =	ssyncset.done $0x0  }
0x67: {  	s13 =	sadd.s32 $0xFFF80000, s19;
	[sflag:s26] =	ssyncadd.s32 $0xFFFFE000;
	s26 =	simm.s32 $0x7C00  }
.LBB2_5:
0x68: {  	s21 =	sshra.s32 s21, $0x2  }
0x69: {  	s21 =	sadd.s32 $0x40, s21  }
0x6a: {  	[tilespmem:s6], [sflag:$0xA] =	stream.indirect.gather [hbm4b:s1+s12], $0x80, s21, s12, $0xb8;
	[tilespmem:$0x15C00] =	vst v63  }
0x6b: {  	s21 =	simm.s32 $0x1  }
0x6c: {  	_ =	swait.ge [sflag:s21], $0x2000  }
0x6d: {  	[sflag:s21] =	ssyncset.done $0x0  }
0x6e: {  	[sflag:s21] =	ssyncadd.s32 $0xFFFFE000;
	s21 =	simm.s32 $0x2  }
0x6f: {  	[hbm4b:s23+s4] =	stream.linear.scatter [tilespmem:s20], [sflag:$0xB], $0x2000, $0x38;
	[tilespmem:$0x15C00] =	vst v63  }
0x70: {  	_ =	swait.ge [sflag:s21], $0x2000  }
0x71: {  	[sflag:s21] =	ssyncset.done $0x0  }
0x72: {  	s20 =	simm.s32 $0x3;
	[sflag:s21] =	ssyncadd.s32 $0xFFFFE000  }
0x73: {  	[hbm4b:s25+s4] =	stream.linear.scatter [tilespmem:s22], [sflag:$0xC], $0x2000, $0x38;
	[tilespmem:$0x15C00] =	vst v63  }
0x74: {  	s22 =	sor.u32 s5, s16;
	_ =	swait.ge [sflag:s20], $0x2000  }
0x75: {  	s21 =	sshrl.u32 s22, $0x3;
	[sflag:s20] =	ssyncset.done $0x0  }
0x76: {  	s22 =	simm.s32 $0x4;
	s21 =	sadd.s32 s3, s21;
	[sflag:s20] =	ssyncadd.s32 $0xFFFFE000  }
0x77: {  	[hbm4b:s21+s4] =	stream.linear.scatter [tilespmem:s24], [sflag:$0xD], $0x2000, $0x38;
	[tilespmem:$0x15C00] =	vst v63  }
0x78: {  	s24 =	sor.u32 s7, s16;
	_ =	swait.ge [sflag:s22], $0x2000  }
0x79: {  	s16 =	sshrl.u32 s24, $0x3;
	[sflag:s22] =	ssyncset.done $0x0  }
0x7a: {  	s16 =	sadd.s32 s3, s16;
	[sflag:s22] =	ssyncadd.s32 $0xFFFFE000  }
0x7b: {  	[hbm4b:s16+s4] =	stream.linear.scatter [tilespmem:s26], [sflag:$0xE], $0x2000, $0x38;
	[tilespmem:$0x15C00] =	vst v63  }
0x7c: {  	s20 =	sor.u32 s5, s14;
	_ =	swait.ge [sflag:s8], $0x2000  }
0x7d: {  	s16 =	sshrl.u32 s20, $0x3;
	[sflag:s8] =	ssyncset.done $0x0  }
0x7e: {  	s16 =	sadd.s32 s3, s16;
	[sflag:s8] =	ssyncadd.s32 $0xFFFFE000  }
0x7f: {  	[hbm4b:s16+s4] =	stream.linear.scatter [tilespmem:s29], [sflag:$0xF], $0x2000, $0x38;
	[tilespmem:$0x15C00] =	vst v63  }
0x80: {  	s21 =	sor.u32 s7, s14;
	_ =	swait.ge [sflag:s9], $0x2000  }
0x81: {  	s14 =	sshrl.u32 s21, $0x3;
	[sflag:s9] =	ssyncset.done $0x0  }
0x82: {  	s14 =	sadd.s32 s3, s14;
	[sflag:s9] =	ssyncadd.s32 $0xFFFFE000  }
0x83: {  	[hbm4b:s14+s4] =	stream.linear.scatter [tilespmem:s30], [sflag:$0x10], $0x2000, $0x38;
	[tilespmem:$0x15C00] =	vst v63  }
0x84: {  	s18 =	sadd.s32 $0xA00, s18;
	s22 =	sor.u32 s5, s13;
	_ =	swait.ge [sflag:s10], $0x2000  }
0x85: {  	s19 =	sadd.s32 $0x280000, s19;
	s14 =	sshrl.u32 s22, $0x3;
	[sflag:s10] =	ssyncset.done $0x0  }
0x86: {  	p0 =	sne.s32 s18, $0x6C00;
	s14 =	sadd.s32 s3, s14;
	[sflag:s10] =	ssyncadd.s32 $0xFFFFE000  }
0x87: {  	[hbm4b:s14+s4] =	stream.linear.scatter [tilespmem:s31], [sflag:$0x11], $0x2000, $0x38;
	[tilespmem:$0x15C00] =	vst v63  }
0x88: {  	s23 =	sadd.s32 $0x50000, s23;
	s24 =	sor.u32 s7, s13;
	_ =	swait.ge [sflag:s11], $0x2000  }
0x89: {  	s25 =	sadd.s32 $0x50000, s25;
	s13 =	sshrl.u32 s24, $0x3;
	[sflag:s11] =	ssyncset.done $0x0  }
0x8a: {  	s21 =	simm.s32 $0x5C00;
	s13 =	sadd.s32 s3, s13;
	[sflag:s11] =	ssyncadd.s32 $0xFFFFE000  }
0x8b: {  	[hbm4b:s13+s4] =	stream.linear.scatter [tilespmem:s2], [sflag:$0x12], $0x2000, $0x38;
	[tilespmem:$0x15C00] =	vst v63  }
0x8c: {  	s24 =	simm.s32 $0x9C00;
	s26 =	sor.u32 s5, s28;
	_ =	swait.ge [sflag:s15], $0x2000  }
0x8d: {  	s20 =	simm.s32 $0x3C00;
	s13 =	sshrl.u32 s26, $0x3;
	[sflag:s15] =	ssyncset.done $0x0  }
0x8e: {  	s16 =	simm.s32 $0x1C00;
	s13 =	sadd.s32 s3, s13;
	[sflag:s15] =	ssyncadd.s32 $0xFFFFE000  }
0x8f: {  	[hbm4b:s13+s4] =	stream.linear.scatter [tilespmem:s0], [sflag:$0x13], $0x2000, $0x38;
	[tilespmem:$0x15C00] =	vst v63  }
.Ltmp3:
0x90: {  	s29 =	simm.s32 $0xFC00;
	s22 =	simm.s32 $0x7C00;
	(pc) =	sbr.rel @!p0 .LBB2_6-.Ltmp3, $4  }
0x91: {  	s30 =	simm.s32 $0x11C00;
	s31 =	sor.u32 s7, s28;
	_ =	swait.ge [sflag:s17], $0x2000  }
0x92: {  	s28 =	simm.s32 $0xDC00;
	s13 =	sshrl.u32 s31, $0x3;
	[sflag:s17] =	ssyncset.done $0x0  }
0x93: {  	s26 =	simm.s32 $0xBC00;
	s13 =	sadd.s32 s3, s13;
	[sflag:s17] =	ssyncadd.s32 $0xFFFFE000  }
0x94: {  	[hbm4b:s13+s4] =	stream.linear.scatter [tilespmem:s6], [sflag:$0x14], $0x2000, $0x38;
	[tilespmem:$0x15C00] =	vst v63  }
.LBB2_2:
0x95: {  	p0 =	sne.s32 s18, $0x800  }
.Ltmp4:
0x96: {  	_ = 	snop;
	(pc) =	sbr.rel @p0 .LBB2_4-.Ltmp4, $1  }
0x97: {  	_ =	sdelay $0x3  }
0x98: {  	[tilespmem:s16], [sflag:$0x1] =	stream.indirect.gather [hbm4b:s1+s12], $0x80, s4, s12, $0xb8;
	[tilespmem:$0x15C00] =	vst v63  }
0x99: {  	_ = 	snop  }
0x9a: {  	[tilespmem:s20], [sflag:$0x2] =	stream.indirect.gather [hbm4b:s1+s12], $0x80, s12, s12, $0xb8;
	[tilespmem:$0x15C00] =	vst v63  }
0x9b: {  	s13 =	simm.s32 $0x80  }
0x9c: {  	[tilespmem:s21], [sflag:$0x3] =	stream.indirect.gather [hbm4b:s1+s12], $0x80, s13, s12, $0xb8;
	[tilespmem:$0x15C00] =	vst v63  }
0x9d: {  	s2 =	simm.s32 $0x200;
	s0 =	simm.s32 $0x11C00;
	s20 =	simm.s32 $0xC0  }
0x9e: {  	[tilespmem:s22], [sflag:$0x4] =	stream.indirect.gather [hbm4b:s1+s12], $0x80, s20, s12, $0xb8;
	[tilespmem:$0x15C00] =	vst v63  }
0x9f: {  	s16 =	simm.s32 $0x80000;
	s14 =	simm.s32 $0x100000;
	s21 =	simm.s32 $0x100  }
0xa0: {  	[tilespmem:s24], [sflag:$0x5] =	stream.indirect.gather [hbm4b:s1+s12], $0x80, s21, s12, $0xb8;
	[tilespmem:$0x15C00] =	vst v63  }
0xa1: {  	s31 =	simm.s32 $0xDC00;
	s13 =	simm.s32 $0x180000;
	s22 =	simm.s32 $0x140  }
0xa2: {  	[tilespmem:s26], [sflag:$0x6] =	stream.indirect.gather [hbm4b:s1+s12], $0x80, s22, s12, $0xb8;
	[tilespmem:$0x15C00] =	vst v63  }
0xa3: {  	s20 =	simm.s32 $0x1C00;
	s24 =	simm.s32 $0x180;
	s21 =	simm.s32 $0x800  }
0xa4: {  	[tilespmem:s28], [sflag:$0x7] =	stream.indirect.gather [hbm4b:s1+s12], $0x80, s24, s12, $0xb8;
	[tilespmem:$0x15C00] =	vst v63  }
.Ltmp5:
0xa5: {  	s26 =	simm.s32 $0x1C0;
	s22 =	simm.s32 $0x3C00;
	(pc) =	sbr.rel .LBB2_5-.Ltmp5, $4  }
0xa6: {  	[tilespmem:s29], [sflag:$0x8] =	stream.indirect.gather [hbm4b:s1+s12], $0x80, s26, s12, $0xb8;
	[tilespmem:$0x15C00] =	vst v63  }
0xa7: {  	s28 =	simm.s32 $0x200000;
	s24 =	simm.s32 $0x5C00;
	s26 =	simm.s32 $0x7C00  }
0xa8: {  	[tilespmem:s30], [sflag:$0x9] =	stream.indirect.gather [hbm4b:s1+s12], $0x80, s2, s12, $0xb8;
	[tilespmem:$0x15C00] =	vst v63  }
0xa9: {  	s29 =	simm.s32 $0x9C00;
	s30 =	simm.s32 $0xBC00;
	s2 =	simm.s32 $0xFC00  }
.LBB2_7:
0xaa: {  	_ =	sfence.sel $0x180000  }
0xab: {  	[bflag:$0x0] =	sbarrier.arrive $0xFFFF  }
0xac: {  	_ =	strace $0x90000047  }
0xad: {  	s0 =	stileid.u32;
	[bflag:$0x2] =	sbarrier.arrive $0xFFFF  }
0xae: {  	p0 =	sne.s32 s0, $0x0;
	s0 =	rddreg [dreg:$0x3]  }
0xaf: {  	s0 =	sadd.s32 @!p0 $0x100000, s0  }
0xb0: {  	[sflag:s0] =	ssyncadd.tile.s32 @!p0 $0x1;
	_ =	shalt  }
.Lfunc_end2:
_tile_overlayer_lowered:
.L_overlay_start_2:
0xb1: {  	(tag) =	ssettag $0x2  }
0xb2: {  	s0 =	rddreg [dreg:$0x0];
	s2 =	stileid.u32  }
0xb3: {  	s1 =	rddreg [dreg:$0x1];
	p0 =	sne.s32 s2, $0x0  }
0xb4: {  	s3 =	rddreg [dreg:$0x2];
	[bflag:$0x3] =	sbarrier.arrive $0xFFFF;
	s2 =	simm.s32 @!p0 $0x1C15  }
0xb5: {  	[timem:s3], [sflag:s2] =	dma.local @!p0 [hbm:s0], s1  }
0xb6: {  	s0 =	simm.s32 @!p0 $0x15  }
0xb7: {  	_ =	swait.ge @!p0 [sflag:s0], s1  }
0xb8: {  	s1 =	ssub.s32 @!p0 $0x0, s1;
	[sflag:s0] =	ssyncset.done @!p0 $0x0  }
0xb9: {  	[sflag:s0] =	ssyncadd.s32 @!p0 s1  }
0xba: {  	[bflag:$0x3] =	sbarrier.arrive $0xFFFF  }
0xbb: {  	_ =	shalt  }

</sc_bundles>
